<compile_context>
chip_gen: v7x
topology: tpu7x:2x2x1
jax: 0.10.2.dev20260603
libtpu: 0.0.44.dev20260713+nightly
codegen_flags: <defaults>
</compile_context>

<pallas_src>
import functools

import jax
import jax.numpy as jnp
import numpy as np
from jax import lax
from jax.experimental import pallas as pl
from jax.experimental.pallas import tpu as pltpu
from jax.experimental.pallas import tpu_sc as plsc

_B, _V, _C, _H, _W = 16, 8, 3, 256, 256
_NIN, _NTG = 4, 6
_BPR = _C * 2
_NC, _NS = 2, 16
_NWORK = _NC * _NS
_IN_BLK = _B * _NIN * _BPR
_TG_BLK = _B * _NTG * _BPR
_IN_PW = _IN_BLK // _NWORK
_TG_PW = _TG_BLK // _NWORK

_PERM = [[6, 4, 0, 3, 5, 2], [2, 6, 0, 7, 1, 5], [6, 2, 5, 4, 1, 7],
         [2, 3, 0, 7, 4, 6], [7, 6, 0, 3, 2, 5], [5, 0, 2, 3, 1, 4],
         [1, 4, 3, 7, 2, 6], [4, 5, 1, 7, 0, 2], [1, 3, 7, 5, 6, 0],
         [2, 5, 1, 6, 4, 0], [6, 4, 5, 0, 3, 2], [3, 4, 6, 5, 2, 1],
         [7, 3, 6, 0, 4, 1], [3, 5, 4, 2, 6, 0], [3, 0, 7, 2, 4, 5],
         [5, 0, 1, 2, 6, 3]]
_ROWS_IN = np.array([b * _V + i for b in range(_B) for i in range(_NIN)],
                    dtype=np.int32)
_ROWS_TG = np.array([b * _V + v for b in range(_B) for v in _PERM[b]],
                    dtype=np.int32)


def _blk_tbl(rows, per_w):
    blocks = (rows[:, None] * _BPR
              + np.arange(_BPR, dtype=np.int32)[None, :]).reshape(-1)
    return blocks.reshape(_NWORK, per_w, 1)


_TBL_IN = _blk_tbl(_ROWS_IN, _IN_PW)
_TBL_TG = _blk_tbl(_ROWS_TG, _TG_PW)


def _body(img, lbl, small, tbl_in, tbl_tg, rows_in, rows_tg,
          img_in, img_tg, lbl_in, lbl_tg, small_in, small_tg,
          idx_in_v, idx_tg_v, buf0, buf1, rin_v, rtg_v, sbuf_in, sbuf_tg,
          sem, isem0, isem1, osem0, osem1):
    wid = lax.axis_index("s") * _NC + lax.axis_index("c")

    pltpu.sync_copy(tbl_in.at[wid], idx_in_v)
    pltpu.sync_copy(tbl_tg.at[wid], idx_tg_v)

    def stream(src, idx_v, n_blocks, out, base_block):
        def gather(g, b, isem):
            pltpu.async_copy(src.at[idx_v.at[g]], b, isem)

        def wait_gather(b, isem):
            pltpu.make_async_copy(src.at[pl.ds(0, 1)], b, isem).wait()

        def write(g, b, osem):
            pltpu.async_copy(b, out.at[pl.ds(base_block + g, 1)], osem)

        def wait_write(b, osem):
            pltpu.make_async_copy(b, out.at[pl.ds(base_block, 1)],
                                  osem).wait()

        gather(0, buf0, isem0)
        gather(1, buf1, isem1)

        def pair(k, carry):
            g = 2 * k
            wait_gather(buf0, isem0)
            write(g, buf0, osem0)
            wait_gather(buf1, isem1)
            write(g + 1, buf1, osem1)

            @pl.when(g + 2 < n_blocks)
            def _():
                wait_write(buf0, osem0)
                gather(g + 2, buf0, isem0)
                wait_write(buf1, osem1)
                gather(g + 3, buf1, isem1)
            return carry

        lax.fori_loop(0, n_blocks // 2, pair, 0)
        wait_write(buf0, osem0)
        wait_write(buf1, osem1)

    stream(img, idx_in_v, _IN_PW, img_in, wid * _IN_PW)
    stream(img, idx_tg_v, _TG_PW, img_tg, wid * _TG_PW)
    stream(lbl, idx_in_v, _IN_PW, lbl_in, wid * _IN_PW)
    stream(lbl, idx_tg_v, _TG_PW, lbl_tg, wid * _TG_PW)

    @pl.when(wid == 0)
    def _():
        pltpu.sync_copy(rows_in, rin_v)
        pltpu.async_copy(small.at[rin_v], sbuf_in, sem).wait()
        pltpu.sync_copy(sbuf_in, small_in)

    @pl.when(wid == 1)
    def _():
        pltpu.sync_copy(rows_tg, rtg_v)
        pltpu.async_copy(small.at[rtg_v], sbuf_tg, sem).wait()
        pltpu.sync_copy(sbuf_tg, small_tg)


_copy = pl.kernel(
    _body,
    out_type=(
        jax.ShapeDtypeStruct((_IN_BLK, 128, 256), jnp.float32),
        jax.ShapeDtypeStruct((_TG_BLK, 128, 256), jnp.float32),
        jax.ShapeDtypeStruct((_IN_BLK, 128, 256), jnp.float32),
        jax.ShapeDtypeStruct((_TG_BLK, 128, 256), jnp.float32),
        jax.ShapeDtypeStruct((_B * _NIN, 128), jnp.float32),
        jax.ShapeDtypeStruct((_B * _NTG, 128), jnp.float32),
    ),
    mesh=plsc.VectorSubcoreMesh(core_axis_name="c", subcore_axis_name="s"),
    scratch_types=[
        pltpu.VMEM((_IN_PW, 1), jnp.int32),
        pltpu.VMEM((_TG_PW, 1), jnp.int32),
        pltpu.VMEM((1, 128, 256), jnp.float32),
        pltpu.VMEM((1, 128, 256), jnp.float32),
        pltpu.VMEM((_B * _NIN,), jnp.int32),
        pltpu.VMEM((_B * _NTG,), jnp.int32),
        pltpu.VMEM((_B * _NIN, 128), jnp.float32),
        pltpu.VMEM((_B * _NTG, 128), jnp.float32),
        pltpu.SemaphoreType.DMA,
        pltpu.SemaphoreType.DMA,
        pltpu.SemaphoreType.DMA,
        pltpu.SemaphoreType.DMA,
        pltpu.SemaphoreType.DMA,
    ],
)


def kernel(image, fxfycxcy, c2w, label):
    img = image.reshape(_B * _V * _BPR, 128, 256)
    lbl = label.reshape(_B * _V * _BPR, 128, 256)
    small = jnp.pad(
        jnp.concatenate([fxfycxcy.reshape(_B * _V, 4),
                         c2w.reshape(_B * _V, 16)], axis=1),
        ((0, 0), (0, 108)))
    (img_in, img_tg, lbl_in, lbl_tg,
     small_in, small_tg) = _copy(img, lbl, small,
                                 jnp.asarray(_TBL_IN), jnp.asarray(_TBL_TG),
                                 jnp.asarray(_ROWS_IN), jnp.asarray(_ROWS_TG))
    return (
        img_in.reshape(_B, _NIN, _C, _H, _W),
        small_in[:, :4].reshape(_B, _NIN, 4),
        small_in[:, 4:20].reshape(_B, _NIN, 4, 4),
        lbl_in.reshape(_B, _NIN, _C, _H, _W),
        img_tg.reshape(_B, _NTG, _C, _H, _W),
        small_tg[:, :4].reshape(_B, _NTG, 4),
        small_tg[:, 4:20].reshape(_B, _NTG, 4, 4),
        lbl_tg.reshape(_B, _NTG, _C, _H, _W),
    )

# --- scband reference (transcript-rebuilt; emitter-appended) ---
"""Pipeline reference for scband-split-data-39195871543773 (READ-ONLY COPY).

The authoritative reference and input builder live on the scoring server;
editing this copy changes nothing except your own understanding.
"""

import jax, jax.numpy as jnp
import numpy as np

NUM_INPUT = 4
NUM_TARGET = 6
B, V, C, H, W = 16, 8, 3, 256, 256


def setup_inputs(seed: int = 0) -> dict:
    key = jax.random.key(seed)
    k1, k2, k3, k4 = jax.random.split(key, 4)
    return {
        "image": jax.random.normal(k1, (B, V, C, H, W), dtype=jnp.float32),
        "fxfycxcy": jax.random.uniform(k2, (B, V, 4), dtype=jnp.float32),
        "c2w": jax.random.normal(k3, (B, V, 4, 4), dtype=jnp.float32),
        "label": jax.random.uniform(k4, (B, V, C, H, W), dtype=jnp.float32),
    }


def _target_index(b, v):
    # deterministic stand-in for per-sample random.sample(range(v), NUM_TARGET):
    # argsort of iid uniforms gives a random permutation per batch row; take first NUM_TARGET
    u = jax.random.uniform(jax.random.key(42), (b, v))
    return jnp.argsort(u, axis=1)[:, :NUM_TARGET].astype(jnp.int64)


def _gather_views(value, idx):
    # emulate torch.gather(value, dim=1, index=idx.expand(-1, -1, *value.shape[2:]))
    extra = value.ndim - 2
    idxe = idx.reshape(idx.shape[0], idx.shape[1], *([1] * extra))
    idxb = jnp.broadcast_to(idxe, idx.shape[:2] + value.shape[2:])
    return jnp.take_along_axis(value, idxb, axis=1)


def reference(image, fxfycxcy, c2w, label):
    b, v = image.shape[:2]
    idx = _target_index(b, v)
    data = (image, fxfycxcy, c2w, label)
    # input dict: first NUM_INPUT views of every key
    inputs = tuple(val[:, :NUM_INPUT] for val in data)
    # target dict: NUM_TARGET < v, so gather per-sample random views (target_has_input=True path)
    targets = tuple(_gather_views(val, idx) for val in data)
    return (*inputs, *targets)

if __name__ == "__main__":
    import jax
    _d = setup_inputs()
    print(jax.jit(kernel)(*tuple(_d.values())))

</pallas_src>

<mosaic_0001>
#map = affine_map<(d0, d1) -> (0, 0, 0)>
#map1 = affine_map<(d0, d1) -> (0, 0)>
#map2 = affine_map<(d0, d1) -> (0)>
module attributes {stable_mosaic.version = 14 : i64} {
  func.func @_body(%arg0: i32, %arg1: i32, %arg2: memref<768x128x256xf32, #tpu.memory_space<hbm>>, %arg3: memref<768x128x256xf32, #tpu.memory_space<hbm>>, %arg4: memref<128x128xf32, #tpu.memory_space<hbm>>, %arg5: memref<32x12x1xi32, #tpu.memory_space<hbm>>, %arg6: memref<32x18x1xi32, #tpu.memory_space<hbm>>, %arg7: memref<64xi32, #tpu.memory_space<hbm>>, %arg8: memref<96xi32, #tpu.memory_space<hbm>>, %arg9: memref<384x128x256xf32, #tpu.memory_space<hbm>>, %arg10: memref<576x128x256xf32, #tpu.memory_space<hbm>>, %arg11: memref<384x128x256xf32, #tpu.memory_space<hbm>>, %arg12: memref<576x128x256xf32, #tpu.memory_space<hbm>>, %arg13: memref<64x128xf32, #tpu.memory_space<hbm>>, %arg14: memref<96x128xf32, #tpu.memory_space<hbm>>, %arg15: memref<12x1xi32, #tpu.memory_space<vmem>>, %arg16: memref<18x1xi32, #tpu.memory_space<vmem>>, %arg17: memref<1x128x256xf32, #tpu.memory_space<vmem>>, %arg18: memref<1x128x256xf32, #tpu.memory_space<vmem>>, %arg19: memref<64xi32, #tpu.memory_space<vmem>>, %arg20: memref<96xi32, #tpu.memory_space<vmem>>, %arg21: memref<64x128xf32, #tpu.memory_space<vmem>>, %arg22: memref<96x128xf32, #tpu.memory_space<vmem>>, %arg23: memref<!tpu.dma_semaphore, #tpu.memory_space<semaphore_mem>>, %arg24: memref<!tpu.dma_semaphore, #tpu.memory_space<semaphore_mem>>, %arg25: memref<!tpu.dma_semaphore, #tpu.memory_space<semaphore_mem>>, %arg26: memref<!tpu.dma_semaphore, #tpu.memory_space<semaphore_mem>>, %arg27: memref<!tpu.dma_semaphore, #tpu.memory_space<semaphore_mem>>) attributes {dimension_semantics = [#tpu.dimension_semantics<core_parallel>, #tpu.dimension_semantics<subcore_parallel>], iteration_bounds = array<i64: 2, 16>, scalar_prefetch = 0 : i64, scratch_operands = 13 : i64, tpu.core_type = #tpu.core_type<sc_vector_subcore>, window_params = [{transform_indices = #map}, {transform_indices = #map}, {transform_indices = #map1}, {transform_indices = #map}, {transform_indices = #map}, {transform_indices = #map2}, {transform_indices = #map2}, {transform_indices = #map}, {transform_indices = #map}, {transform_indices = #map}, {transform_indices = #map}, {transform_indices = #map1}, {transform_indices = #map1}]} {
    %mul3A = arith.constant 2 : i32
    %mul3A_0 = arith.muli %arg1, %mul3A : i32
    %add3A = arith.addi %mul3A_0, %arg0 : i32
    "tpu.region"() ({
      %run_scoped3A = tpu.sem_alloc : memref<!tpu.dma_semaphore, #tpu.memory_space<semaphore_mem>>
      %dma_start3A_149 = arith.constant 0 : i32
      %dma_start3A_150 = arith.constant 0 : i32
      %dma_start3A_151 = tpu.memref_slice %arg5[%add3A, %dma_start3A_149, %dma_start3A_150] : memref<32x12x1xi32, #tpu.memory_space<hbm>> -> memref<1x12x1xi32, #tpu.memory_space<hbm>>
      %dma_start3A_152 = tpu.memref_squeeze %dma_start3A_151 : memref<1x12x1xi32, #tpu.memory_space<hbm>> -> memref<12x1xi32, #tpu.memory_space<hbm>>
      %dma_start3A_153 = arith.constant 0 : i32
      %dma_start3A_154 = arith.constant 0 : i32
      %dma_start3A_155 = tpu.memref_slice %arg5[%add3A, %dma_start3A_153, %dma_start3A_154] : memref<32x12x1xi32, #tpu.memory_space<hbm>> -> memref<1x12x1xi32, #tpu.memory_space<hbm>>
      %dma_start3A_156 = tpu.memref_squeeze %dma_start3A_155 : memref<1x12x1xi32, #tpu.memory_space<hbm>> -> memref<12x1xi32, #tpu.memory_space<hbm>>
      tpu.enqueue_dma source(%dma_start3A_156 : memref<12x1xi32, #tpu.memory_space<hbm>>) target(%arg15 : memref<12x1xi32, #tpu.memory_space<vmem>>) target_semaphore(%run_scoped3A : memref<!tpu.dma_semaphore, #tpu.memory_space<semaphore_mem>>)
      %dma_wait3A_157 = arith.constant 0 : i32
      %dma_wait3A_158 = arith.constant 0 : i32
      %dma_wait3A_159 = tpu.memref_slice %arg5[%add3A, %dma_wait3A_157, %dma_wait3A_158] : memref<32x12x1xi32, #tpu.memory_space<hbm>> -> memref<1x12x1xi32, #tpu.memory_space<hbm>>
      %dma_wait3A_160 = tpu.memref_squeeze %dma_wait3A_159 : memref<1x12x1xi32, #tpu.memory_space<hbm>> -> memref<12x1xi32, #tpu.memory_space<hbm>>
      %dma_wait3A_161 = arith.constant 0 : i32
      %dma_wait3A_162 = arith.constant 0 : i32
      %dma_wait3A_163 = tpu.memref_slice %arg5[%add3A, %dma_wait3A_161, %dma_wait3A_162] : memref<32x12x1xi32, #tpu.memory_space<hbm>> -> memref<1x12x1xi32, #tpu.memory_space<hbm>>
      %dma_wait3A_164 = tpu.memref_squeeze %dma_wait3A_163 : memref<1x12x1xi32, #tpu.memory_space<hbm>> -> memref<12x1xi32, #tpu.memory_space<hbm>>
      tpu.wait_dma2 semaphore(%run_scoped3A : memref<!tpu.dma_semaphore, #tpu.memory_space<semaphore_mem>>) src(%dma_wait3A_164 : memref<12x1xi32, #tpu.memory_space<hbm>>) dst(%arg15 : memref<12x1xi32, #tpu.memory_space<vmem>>)
      tpu.yield
    }) : () -> ()
    "tpu.region"() ({
      %run_scoped3A = tpu.sem_alloc : memref<!tpu.dma_semaphore, #tpu.memory_space<semaphore_mem>>
      %dma_start3A_149 = arith.constant 0 : i32
      %dma_start3A_150 = arith.constant 0 : i32
      %dma_start3A_151 = tpu.memref_slice %arg6[%add3A, %dma_start3A_149, %dma_start3A_150] : memref<32x18x1xi32, #tpu.memory_space<hbm>> -> memref<1x18x1xi32, #tpu.memory_space<hbm>>
      %dma_start3A_152 = tpu.memref_squeeze %dma_start3A_151 : memref<1x18x1xi32, #tpu.memory_space<hbm>> -> memref<18x1xi32, #tpu.memory_space<hbm>>
      %dma_start3A_153 = arith.constant 0 : i32
      %dma_start3A_154 = arith.constant 0 : i32
      %dma_start3A_155 = tpu.memref_slice %arg6[%add3A, %dma_start3A_153, %dma_start3A_154] : memref<32x18x1xi32, #tpu.memory_space<hbm>> -> memref<1x18x1xi32, #tpu.memory_space<hbm>>
      %dma_start3A_156 = tpu.memref_squeeze %dma_start3A_155 : memref<1x18x1xi32, #tpu.memory_space<hbm>> -> memref<18x1xi32, #tpu.memory_space<hbm>>
      tpu.enqueue_dma source(%dma_start3A_156 : memref<18x1xi32, #tpu.memory_space<hbm>>) target(%arg16 : memref<18x1xi32, #tpu.memory_space<vmem>>) target_semaphore(%run_scoped3A : memref<!tpu.dma_semaphore, #tpu.memory_space<semaphore_mem>>)
      %dma_wait3A_157 = arith.constant 0 : i32
      %dma_wait3A_158 = arith.constant 0 : i32
      %dma_wait3A_159 = tpu.memref_slice %arg6[%add3A, %dma_wait3A_157, %dma_wait3A_158] : memref<32x18x1xi32, #tpu.memory_space<hbm>> -> memref<1x18x1xi32, #tpu.memory_space<hbm>>
      %dma_wait3A_160 = tpu.memref_squeeze %dma_wait3A_159 : memref<1x18x1xi32, #tpu.memory_space<hbm>> -> memref<18x1xi32, #tpu.memory_space<hbm>>
      %dma_wait3A_161 = arith.constant 0 : i32
      %dma_wait3A_162 = arith.constant 0 : i32
      %dma_wait3A_163 = tpu.memref_slice %arg6[%add3A, %dma_wait3A_161, %dma_wait3A_162] : memref<32x18x1xi32, #tpu.memory_space<hbm>> -> memref<1x18x1xi32, #tpu.memory_space<hbm>>
      %dma_wait3A_164 = tpu.memref_squeeze %dma_wait3A_163 : memref<1x18x1xi32, #tpu.memory_space<hbm>> -> memref<18x1xi32, #tpu.memory_space<hbm>>
      tpu.wait_dma2 semaphore(%run_scoped3A : memref<!tpu.dma_semaphore, #tpu.memory_space<semaphore_mem>>) src(%dma_wait3A_164 : memref<18x1xi32, #tpu.memory_space<hbm>>) dst(%arg16 : memref<18x1xi32, #tpu.memory_space<vmem>>)
      tpu.yield
    }) : () -> ()
    %mul3A_1 = arith.constant 12 : i32
    %mul3A_2 = arith.muli %add3A, %mul3A_1 : i32
    %dma_start3A = arith.constant 0 : i32
    %dma_start3A_3 = arith.constant 0 : i32
    %dma_start3A_4 = tpu.memref_slice %arg15[%dma_start3A, %dma_start3A_3] : memref<12x1xi32, #tpu.memory_space<vmem>> -> memref<1x1xi32, #tpu.memory_space<vmem>>
    %dma_start3A_5 = tpu.memref_squeeze %dma_start3A_4 : memref<1x1xi32, #tpu.memory_space<vmem>> -> memref<1xi32, #tpu.memory_space<vmem>>
    %dma_start3A_6 = arith.constant 0 : i32
    %dma_start3A_7 = arith.constant 0 : i32
    %dma_start3A_8 = arith.constant 0 : i32
    %dma_start3A_9 = tpu.memref_slice %arg2[%dma_start3A_6, %dma_start3A_7, %dma_start3A_8] : memref<768x128x256xf32, #tpu.memory_space<hbm>> -> memref<768x128x256xf32, #tpu.memory_space<hbm>>
    tpu.enqueue_indirect_dma source(%dma_start3A_9 : memref<768x128x256xf32, #tpu.memory_space<hbm>>) target(%arg17 : memref<1x128x256xf32, #tpu.memory_space<vmem>>) offsets(%dma_start3A_5 : memref<1xi32, #tpu.memory_space<vmem>>) semaphore(%arg24 : memref<!tpu.dma_semaphore, #tpu.memory_space<semaphore_mem>>)
    %dma_start3A_10 = arith.constant 1 : i32
    %dma_start3A_11 = arith.constant 0 : i32
    %dma_start3A_12 = tpu.memref_slice %arg15[%dma_start3A_10, %dma_start3A_11] : memref<12x1xi32, #tpu.memory_space<vmem>> -> memref<1x1xi32, #tpu.memory_space<vmem>>
    %dma_start3A_13 = tpu.memref_squeeze %dma_start3A_12 : memref<1x1xi32, #tpu.memory_space<vmem>> -> memref<1xi32, #tpu.memory_space<vmem>>
    %dma_start3A_14 = arith.constant 0 : i32
    %dma_start3A_15 = arith.constant 0 : i32
    %dma_start3A_16 = arith.constant 0 : i32
    %dma_start3A_17 = tpu.memref_slice %arg2[%dma_start3A_14, %dma_start3A_15, %dma_start3A_16] : memref<768x128x256xf32, #tpu.memory_space<hbm>> -> memref<768x128x256xf32, #tpu.memory_space<hbm>>
    tpu.enqueue_indirect_dma source(%dma_start3A_17 : memref<768x128x256xf32, #tpu.memory_space<hbm>>) target(%arg18 : memref<1x128x256xf32, #tpu.memory_space<vmem>>) offsets(%dma_start3A_13 : memref<1xi32, #tpu.memory_space<vmem>>) semaphore(%arg25 : memref<!tpu.dma_semaphore, #tpu.memory_space<semaphore_mem>>)
    %scan3A = arith.constant 0 : i32
    %scan3A_18 = arith.constant 0 : i32
    %scan3A_19 = arith.constant 6 : i32
    %scan3A_20 = arith.addi %scan3A_18, %scan3A_19 : i32
    %scan3A_21 = arith.constant 1 : i32
    scf.for %scan3A_149 = %scan3A_18 to %scan3A_20 step %scan3A_21  : i32 {
      %mul3A_150 = arith.constant 2 : i32
      %mul3A_151 = arith.muli %mul3A_150, %scan3A_149 : i32
      %dma_wait3A_152 = arith.constant 0 : i32
      %dma_wait3A_153 = arith.constant 0 : i32
      %dma_wait3A_154 = arith.constant 0 : i32
      %dma_wait3A_155 = tpu.memref_slice %arg2[%dma_wait3A_152, %dma_wait3A_153, %dma_wait3A_154] : memref<768x128x256xf32, #tpu.memory_space<hbm>> -> memref<1x128x256xf32, #tpu.memory_space<hbm>>
      %dma_wait3A_156 = arith.constant 0 : i32
      %dma_wait3A_157 = arith.constant 0 : i32
      %dma_wait3A_158 = arith.constant 0 : i32
      %dma_wait3A_159 = tpu.memref_slice %arg2[%dma_wait3A_156, %dma_wait3A_157, %dma_wait3A_158] : memref<768x128x256xf32, #tpu.memory_space<hbm>> -> memref<1x128x256xf32, #tpu.memory_space<hbm>>
      tpu.wait_dma2 semaphore(%arg24 : memref<!tpu.dma_semaphore, #tpu.memory_space<semaphore_mem>>) src(%dma_wait3A_159 : memref<1x128x256xf32, #tpu.memory_space<hbm>>) dst(%arg17 : memref<1x128x256xf32, #tpu.memory_space<vmem>>)
      %add3A_160 = arith.addi %mul3A_2, %mul3A_151 : i32
      %dma_start3A_161 = arith.constant 0 : i32
      %dma_start3A_162 = arith.constant 0 : i32
      %dma_start3A_163 = tpu.memref_slice %arg9[%add3A_160, %dma_start3A_161, %dma_start3A_162] : memref<384x128x256xf32, #tpu.memory_space<hbm>> -> memref<1x128x256xf32, #tpu.memory_space<hbm>>
      %dma_start3A_164 = arith.constant 0 : i32
      %dma_start3A_165 = arith.constant 0 : i32
      %dma_start3A_166 = tpu.memref_slice %arg9[%add3A_160, %dma_start3A_164, %dma_start3A_165] : memref<384x128x256xf32, #tpu.memory_space<hbm>> -> memref<1x128x256xf32, #tpu.memory_space<hbm>>
      tpu.enqueue_dma source(%arg17 : memref<1x128x256xf32, #tpu.memory_space<vmem>>) target(%dma_start3A_166 : memref<1x128x256xf32, #tpu.memory_space<hbm>>) target_semaphore(%arg26 : memref<!tpu.dma_semaphore, #tpu.memory_space<semaphore_mem>>)
      %dma_wait3A_167 = arith.constant 0 : i32
      %dma_wait3A_168 = arith.constant 0 : i32
      %dma_wait3A_169 = arith.constant 0 : i32
      %dma_wait3A_170 = tpu.memref_slice %arg2[%dma_wait3A_167, %dma_wait3A_168, %dma_wait3A_169] : memref<768x128x256xf32, #tpu.memory_space<hbm>> -> memref<1x128x256xf32, #tpu.memory_space<hbm>>
      %dma_wait3A_171 = arith.constant 0 : i32
      %dma_wait3A_172 = arith.constant 0 : i32
      %dma_wait3A_173 = arith.constant 0 : i32
      %dma_wait3A_174 = tpu.memref_slice %arg2[%dma_wait3A_171, %dma_wait3A_172, %dma_wait3A_173] : memref<768x128x256xf32, #tpu.memory_space<hbm>> -> memref<1x128x256xf32, #tpu.memory_space<hbm>>
      tpu.wait_dma2 semaphore(%arg25 : memref<!tpu.dma_semaphore, #tpu.memory_space<semaphore_mem>>) src(%dma_wait3A_174 : memref<1x128x256xf32, #tpu.memory_space<hbm>>) dst(%arg18 : memref<1x128x256xf32, #tpu.memory_space<vmem>>)
      %add3A_175 = arith.constant 1 : i32
      %add3A_176 = arith.addi %mul3A_151, %add3A_175 : i32
      %add3A_177 = arith.addi %mul3A_2, %add3A_176 : i32
      %dma_start3A_178 = arith.constant 0 : i32
      %dma_start3A_179 = arith.constant 0 : i32
      %dma_start3A_180 = tpu.memref_slice %arg9[%add3A_177, %dma_start3A_178, %dma_start3A_179] : memref<384x128x256xf32, #tpu.memory_space<hbm>> -> memref<1x128x256xf32, #tpu.memory_space<hbm>>
      %dma_start3A_181 = arith.constant 0 : i32
      %dma_start3A_182 = arith.constant 0 : i32
      %dma_start3A_183 = tpu.memref_slice %arg9[%add3A_177, %dma_start3A_181, %dma_start3A_182] : memref<384x128x256xf32, #tpu.memory_space<hbm>> -> memref<1x128x256xf32, #tpu.memory_space<hbm>>
      tpu.enqueue_dma source(%arg18 : memref<1x128x256xf32, #tpu.memory_space<vmem>>) target(%dma_start3A_183 : memref<1x128x256xf32, #tpu.memory_space<hbm>>) target_semaphore(%arg27 : memref<!tpu.dma_semaphore, #tpu.memory_space<semaphore_mem>>)
      %add3A_184 = arith.constant 2 : i32
      %add3A_185 = arith.addi %mul3A_151, %add3A_184 : i32
      %lt3A = arith.constant 12 : i32
      %lt3A_186 = arith.cmpi slt, %add3A_185, %lt3A : i32
      %convert_element_type3A_187 = arith.extui %lt3A_186 : i1 to i32
      %cond3A_188 = arith.constant 0 : i32
      %cond3A_189 = arith.cmpi ne, %convert_element_type3A_187, %cond3A_188 : i32
      scf.if %cond3A_189 {
        %dma_wait3A_190 = arith.constant 0 : i32
        %dma_wait3A_191 = arith.constant 0 : i32
        %dma_wait3A_192 = tpu.memref_slice %arg9[%mul3A_2, %dma_wait3A_190, %dma_wait3A_191] : memref<384x128x256xf32, #tpu.memory_space<hbm>> -> memref<1x128x256xf32, #tpu.memory_space<hbm>>
        %dma_wait3A_193 = arith.constant 0 : i32
        %dma_wait3A_194 = arith.constant 0 : i32
        %dma_wait3A_195 = tpu.memref_slice %arg9[%mul3A_2, %dma_wait3A_193, %dma_wait3A_194] : memref<384x128x256xf32, #tpu.memory_space<hbm>> -> memref<1x128x256xf32, #tpu.memory_space<hbm>>
        tpu.wait_dma2 semaphore(%arg26 : memref<!tpu.dma_semaphore, #tpu.memory_space<semaphore_mem>>) src(%arg17 : memref<1x128x256xf32, #tpu.memory_space<vmem>>) dst(%dma_wait3A_195 : memref<1x128x256xf32, #tpu.memory_space<hbm>>)
        %add3A_196 = arith.constant 2 : i32
        %add3A_197 = arith.addi %mul3A_151, %add3A_196 : i32
        %dma_start3A_198 = arith.constant 0 : i32
        %dma_start3A_199 = tpu.memref_slice %arg15[%add3A_197, %dma_start3A_198] : memref<12x1xi32, #tpu.memory_space<vmem>> -> memref<1x1xi32, #tpu.memory_space<vmem>>
        %dma_start3A_200 = tpu.memref_squeeze %dma_start3A_199 : memref<1x1xi32, #tpu.memory_space<vmem>> -> memref<1xi32, #tpu.memory_space<vmem>>
        %dma_start3A_201 = arith.constant 0 : i32
        %dma_start3A_202 = arith.constant 0 : i32
        %dma_start3A_203 = arith.constant 0 : i32
        %dma_start3A_204 = tpu.memref_slice %arg2[%dma_start3A_201, %dma_start3A_202, %dma_start3A_203] : memref<768x128x256xf32, #tpu.memory_space<hbm>> -> memref<768x128x256xf32, #tpu.memory_space<hbm>>
        tpu.enqueue_indirect_dma source(%dma_start3A_204 : memref<768x128x256xf32, #tpu.memory_space<hbm>>) target(%arg17 : memref<1x128x256xf32, #tpu.memory_space<vmem>>) offsets(%dma_start3A_200 : memref<1xi32, #tpu.memory_space<vmem>>) semaphore(%arg24 : memref<!tpu.dma_semaphore, #tpu.memory_space<semaphore_mem>>)
        %dma_wait3A_205 = arith.constant 0 : i32
        %dma_wait3A_206 = arith.constant 0 : i32
        %dma_wait3A_207 = tpu.memref_slice %arg9[%mul3A_2, %dma_wait3A_205, %dma_wait3A_206] : memref<384x128x256xf32, #tpu.memory_space<hbm>> -> memref<1x128x256xf32, #tpu.memory_space<hbm>>
        %dma_wait3A_208 = arith.constant 0 : i32
        %dma_wait3A_209 = arith.constant 0 : i32
        %dma_wait3A_210 = tpu.memref_slice %arg9[%mul3A_2, %dma_wait3A_208, %dma_wait3A_209] : memref<384x128x256xf32, #tpu.memory_space<hbm>> -> memref<1x128x256xf32, #tpu.memory_space<hbm>>
        tpu.wait_dma2 semaphore(%arg27 : memref<!tpu.dma_semaphore, #tpu.memory_space<semaphore_mem>>) src(%arg18 : memref<1x128x256xf32, #tpu.memory_space<vmem>>) dst(%dma_wait3A_210 : memref<1x128x256xf32, #tpu.memory_space<hbm>>)
        %add3A_211 = arith.constant 3 : i32
        %add3A_212 = arith.addi %mul3A_151, %add3A_211 : i32
        %dma_start3A_213 = arith.constant 0 : i32
        %dma_start3A_214 = tpu.memref_slice %arg15[%add3A_212, %dma_start3A_213] : memref<12x1xi32, #tpu.memory_space<vmem>> -> memref<1x1xi32, #tpu.memory_space<vmem>>
        %dma_start3A_215 = tpu.memref_squeeze %dma_start3A_214 : memref<1x1xi32, #tpu.memory_space<vmem>> -> memref<1xi32, #tpu.memory_space<vmem>>
        %dma_start3A_216 = arith.constant 0 : i32
        %dma_start3A_217 = arith.constant 0 : i32
        %dma_start3A_218 = arith.constant 0 : i32
        %dma_start3A_219 = tpu.memref_slice %arg2[%dma_start3A_216, %dma_start3A_217, %dma_start3A_218] : memref<768x128x256xf32, #tpu.memory_space<hbm>> -> memref<768x128x256xf32, #tpu.memory_space<hbm>>
        tpu.enqueue_indirect_dma source(%dma_start3A_219 : memref<768x128x256xf32, #tpu.memory_space<hbm>>) target(%arg18 : memref<1x128x256xf32, #tpu.memory_space<vmem>>) offsets(%dma_start3A_215 : memref<1xi32, #tpu.memory_space<vmem>>) semaphore(%arg25 : memref<!tpu.dma_semaphore, #tpu.memory_space<semaphore_mem>>)
      } else {
      }
    }
    %scan3A_22 = arith.constant 6 : i32
    %dma_wait3A = arith.constant 0 : i32
    %dma_wait3A_23 = arith.constant 0 : i32
    %dma_wait3A_24 = tpu.memref_slice %arg9[%mul3A_2, %dma_wait3A, %dma_wait3A_23] : memref<384x128x256xf32, #tpu.memory_space<hbm>> -> memref<1x128x256xf32, #tpu.memory_space<hbm>>
    %dma_wait3A_25 = arith.constant 0 : i32
    %dma_wait3A_26 = arith.constant 0 : i32
    %dma_wait3A_27 = tpu.memref_slice %arg9[%mul3A_2, %dma_wait3A_25, %dma_wait3A_26] : memref<384x128x256xf32, #tpu.memory_space<hbm>> -> memref<1x128x256xf32, #tpu.memory_space<hbm>>
    tpu.wait_dma2 semaphore(%arg26 : memref<!tpu.dma_semaphore, #tpu.memory_space<semaphore_mem>>) src(%arg17 : memref<1x128x256xf32, #tpu.memory_space<vmem>>) dst(%dma_wait3A_27 : memref<1x128x256xf32, #tpu.memory_space<hbm>>)
    %dma_wait3A_28 = arith.constant 0 : i32
    %dma_wait3A_29 = arith.constant 0 : i32
    %dma_wait3A_30 = tpu.memref_slice %arg9[%mul3A_2, %dma_wait3A_28, %dma_wait3A_29] : memref<384x128x256xf32, #tpu.memory_space<hbm>> -> memref<1x128x256xf32, #tpu.memory_space<hbm>>
    %dma_wait3A_31 = arith.constant 0 : i32
    %dma_wait3A_32 = arith.constant 0 : i32
    %dma_wait3A_33 = tpu.memref_slice %arg9[%mul3A_2, %dma_wait3A_31, %dma_wait3A_32] : memref<384x128x256xf32, #tpu.memory_space<hbm>> -> memref<1x128x256xf32, #tpu.memory_space<hbm>>
    tpu.wait_dma2 semaphore(%arg27 : memref<!tpu.dma_semaphore, #tpu.memory_space<semaphore_mem>>) src(%arg18 : memref<1x128x256xf32, #tpu.memory_space<vmem>>) dst(%dma_wait3A_33 : memref<1x128x256xf32, #tpu.memory_space<hbm>>)
    %mul3A_34 = arith.constant 18 : i32
    %mul3A_35 = arith.muli %add3A, %mul3A_34 : i32
    %dma_start3A_36 = arith.constant 0 : i32
    %dma_start3A_37 = arith.constant 0 : i32
    %dma_start3A_38 = tpu.memref_slice %arg16[%dma_start3A_36, %dma_start3A_37] : memref<18x1xi32, #tpu.memory_space<vmem>> -> memref<1x1xi32, #tpu.memory_space<vmem>>
    %dma_start3A_39 = tpu.memref_squeeze %dma_start3A_38 : memref<1x1xi32, #tpu.memory_space<vmem>> -> memref<1xi32, #tpu.memory_space<vmem>>
    %dma_start3A_40 = arith.constant 0 : i32
    %dma_start3A_41 = arith.constant 0 : i32
    %dma_start3A_42 = arith.constant 0 : i32
    %dma_start3A_43 = tpu.memref_slice %arg2[%dma_start3A_40, %dma_start3A_41, %dma_start3A_42] : memref<768x128x256xf32, #tpu.memory_space<hbm>> -> memref<768x128x256xf32, #tpu.memory_space<hbm>>
    tpu.enqueue_indirect_dma source(%dma_start3A_43 : memref<768x128x256xf32, #tpu.memory_space<hbm>>) target(%arg17 : memref<1x128x256xf32, #tpu.memory_space<vmem>>) offsets(%dma_start3A_39 : memref<1xi32, #tpu.memory_space<vmem>>) semaphore(%arg24 : memref<!tpu.dma_semaphore, #tpu.memory_space<semaphore_mem>>)
    %dma_start3A_44 = arith.constant 1 : i32
    %dma_start3A_45 = arith.constant 0 : i32
    %dma_start3A_46 = tpu.memref_slice %arg16[%dma_start3A_44, %dma_start3A_45] : memref<18x1xi32, #tpu.memory_space<vmem>> -> memref<1x1xi32, #tpu.memory_space<vmem>>
    %dma_start3A_47 = tpu.memref_squeeze %dma_start3A_46 : memref<1x1xi32, #tpu.memory_space<vmem>> -> memref<1xi32, #tpu.memory_space<vmem>>
    %dma_start3A_48 = arith.constant 0 : i32
    %dma_start3A_49 = arith.constant 0 : i32
    %dma_start3A_50 = arith.constant 0 : i32
    %dma_start3A_51 = tpu.memref_slice %arg2[%dma_start3A_48, %dma_start3A_49, %dma_start3A_50] : memref<768x128x256xf32, #tpu.memory_space<hbm>> -> memref<768x128x256xf32, #tpu.memory_space<hbm>>
    tpu.enqueue_indirect_dma source(%dma_start3A_51 : memref<768x128x256xf32, #tpu.memory_space<hbm>>) target(%arg18 : memref<1x128x256xf32, #tpu.memory_space<vmem>>) offsets(%dma_start3A_47 : memref<1xi32, #tpu.memory_space<vmem>>) semaphore(%arg25 : memref<!tpu.dma_semaphore, #tpu.memory_space<semaphore_mem>>)
    %scan3A_52 = arith.constant 0 : i32
    %scan3A_53 = arith.constant 0 : i32
    %scan3A_54 = arith.constant 9 : i32
    %scan3A_55 = arith.addi %scan3A_53, %scan3A_54 : i32
    %scan3A_56 = arith.constant 1 : i32
    scf.for %scan3A_149 = %scan3A_53 to %scan3A_55 step %scan3A_56  : i32 {
      %mul3A_150 = arith.constant 2 : i32
      %mul3A_151 = arith.muli %mul3A_150, %scan3A_149 : i32
      %dma_wait3A_152 = arith.constant 0 : i32
      %dma_wait3A_153 = arith.constant 0 : i32
      %dma_wait3A_154 = arith.constant 0 : i32
      %dma_wait3A_155 = tpu.memref_slice %arg2[%dma_wait3A_152, %dma_wait3A_153, %dma_wait3A_154] : memref<768x128x256xf32, #tpu.memory_space<hbm>> -> memref<1x128x256xf32, #tpu.memory_space<hbm>>
      %dma_wait3A_156 = arith.constant 0 : i32
      %dma_wait3A_157 = arith.constant 0 : i32
      %dma_wait3A_158 = arith.constant 0 : i32
      %dma_wait3A_159 = tpu.memref_slice %arg2[%dma_wait3A_156, %dma_wait3A_157, %dma_wait3A_158] : memref<768x128x256xf32, #tpu.memory_space<hbm>> -> memref<1x128x256xf32, #tpu.memory_space<hbm>>
      tpu.wait_dma2 semaphore(%arg24 : memref<!tpu.dma_semaphore, #tpu.memory_space<semaphore_mem>>) src(%dma_wait3A_159 : memref<1x128x256xf32, #tpu.memory_space<hbm>>) dst(%arg17 : memref<1x128x256xf32, #tpu.memory_space<vmem>>)
      %add3A_160 = arith.addi %mul3A_35, %mul3A_151 : i32
      %dma_start3A_161 = arith.constant 0 : i32
      %dma_start3A_162 = arith.constant 0 : i32
      %dma_start3A_163 = tpu.memref_slice %arg10[%add3A_160, %dma_start3A_161, %dma_start3A_162] : memref<576x128x256xf32, #tpu.memory_space<hbm>> -> memref<1x128x256xf32, #tpu.memory_space<hbm>>
      %dma_start3A_164 = arith.constant 0 : i32
      %dma_start3A_165 = arith.constant 0 : i32
      %dma_start3A_166 = tpu.memref_slice %arg10[%add3A_160, %dma_start3A_164, %dma_start3A_165] : memref<576x128x256xf32, #tpu.memory_space<hbm>> -> memref<1x128x256xf32, #tpu.memory_space<hbm>>
      tpu.enqueue_dma source(%arg17 : memref<1x128x256xf32, #tpu.memory_space<vmem>>) target(%dma_start3A_166 : memref<1x128x256xf32, #tpu.memory_space<hbm>>) target_semaphore(%arg26 : memref<!tpu.dma_semaphore, #tpu.memory_space<semaphore_mem>>)
      %dma_wait3A_167 = arith.constant 0 : i32
      %dma_wait3A_168 = arith.constant 0 : i32
      %dma_wait3A_169 = arith.constant 0 : i32
      %dma_wait3A_170 = tpu.memref_slice %arg2[%dma_wait3A_167, %dma_wait3A_168, %dma_wait3A_169] : memref<768x128x256xf32, #tpu.memory_space<hbm>> -> memref<1x128x256xf32, #tpu.memory_space<hbm>>
      %dma_wait3A_171 = arith.constant 0 : i32
      %dma_wait3A_172 = arith.constant 0 : i32
      %dma_wait3A_173 = arith.constant 0 : i32
      %dma_wait3A_174 = tpu.memref_slice %arg2[%dma_wait3A_171, %dma_wait3A_172, %dma_wait3A_173] : memref<768x128x256xf32, #tpu.memory_space<hbm>> -> memref<1x128x256xf32, #tpu.memory_space<hbm>>
      tpu.wait_dma2 semaphore(%arg25 : memref<!tpu.dma_semaphore, #tpu.memory_space<semaphore_mem>>) src(%dma_wait3A_174 : memref<1x128x256xf32, #tpu.memory_space<hbm>>) dst(%arg18 : memref<1x128x256xf32, #tpu.memory_space<vmem>>)
      %add3A_175 = arith.constant 1 : i32
      %add3A_176 = arith.addi %mul3A_151, %add3A_175 : i32
      %add3A_177 = arith.addi %mul3A_35, %add3A_176 : i32
      %dma_start3A_178 = arith.constant 0 : i32
      %dma_start3A_179 = arith.constant 0 : i32
      %dma_start3A_180 = tpu.memref_slice %arg10[%add3A_177, %dma_start3A_178, %dma_start3A_179] : memref<576x128x256xf32, #tpu.memory_space<hbm>> -> memref<1x128x256xf32, #tpu.memory_space<hbm>>
      %dma_start3A_181 = arith.constant 0 : i32
      %dma_start3A_182 = arith.constant 0 : i32
      %dma_start3A_183 = tpu.memref_slice %arg10[%add3A_177, %dma_start3A_181, %dma_start3A_182] : memref<576x128x256xf32, #tpu.memory_space<hbm>> -> memref<1x128x256xf32, #tpu.memory_space<hbm>>
      tpu.enqueue_dma source(%arg18 : memref<1x128x256xf32, #tpu.memory_space<vmem>>) target(%dma_start3A_183 : memref<1x128x256xf32, #tpu.memory_space<hbm>>) target_semaphore(%arg27 : memref<!tpu.dma_semaphore, #tpu.memory_space<semaphore_mem>>)
      %add3A_184 = arith.constant 2 : i32
      %add3A_185 = arith.addi %mul3A_151, %add3A_184 : i32
      %lt3A = arith.constant 18 : i32
      %lt3A_186 = arith.cmpi slt, %add3A_185, %lt3A : i32
      %convert_element_type3A_187 = arith.extui %lt3A_186 : i1 to i32
      %cond3A_188 = arith.constant 0 : i32
      %cond3A_189 = arith.cmpi ne, %convert_element_type3A_187, %cond3A_188 : i32
      scf.if %cond3A_189 {
        %dma_wait3A_190 = arith.constant 0 : i32
        %dma_wait3A_191 = arith.constant 0 : i32
        %dma_wait3A_192 = tpu.memref_slice %arg10[%mul3A_35, %dma_wait3A_190, %dma_wait3A_191] : memref<576x128x256xf32, #tpu.memory_space<hbm>> -> memref<1x128x256xf32, #tpu.memory_space<hbm>>
        %dma_wait3A_193 = arith.constant 0 : i32
        %dma_wait3A_194 = arith.constant 0 : i32
        %dma_wait3A_195 = tpu.memref_slice %arg10[%mul3A_35, %dma_wait3A_193, %dma_wait3A_194] : memref<576x128x256xf32, #tpu.memory_space<hbm>> -> memref<1x128x256xf32, #tpu.memory_space<hbm>>
        tpu.wait_dma2 semaphore(%arg26 : memref<!tpu.dma_semaphore, #tpu.memory_space<semaphore_mem>>) src(%arg17 : memref<1x128x256xf32, #tpu.memory_space<vmem>>) dst(%dma_wait3A_195 : memref<1x128x256xf32, #tpu.memory_space<hbm>>)
        %add3A_196 = arith.constant 2 : i32
        %add3A_197 = arith.addi %mul3A_151, %add3A_196 : i32
        %dma_start3A_198 = arith.constant 0 : i32
        %dma_start3A_199 = tpu.memref_slice %arg16[%add3A_197, %dma_start3A_198] : memref<18x1xi32, #tpu.memory_space<vmem>> -> memref<1x1xi32, #tpu.memory_space<vmem>>
        %dma_start3A_200 = tpu.memref_squeeze %dma_start3A_199 : memref<1x1xi32, #tpu.memory_space<vmem>> -> memref<1xi32, #tpu.memory_space<vmem>>
        %dma_start3A_201 = arith.constant 0 : i32
        %dma_start3A_202 = arith.constant 0 : i32
        %dma_start3A_203 = arith.constant 0 : i32
        %dma_start3A_204 = tpu.memref_slice %arg2[%dma_start3A_201, %dma_start3A_202, %dma_start3A_203] : memref<768x128x256xf32, #tpu.memory_space<hbm>> -> memref<768x128x256xf32, #tpu.memory_space<hbm>>
        tpu.enqueue_indirect_dma source(%dma_start3A_204 : memref<768x128x256xf32, #tpu.memory_space<hbm>>) target(%arg17 : memref<1x128x256xf32, #tpu.memory_space<vmem>>) offsets(%dma_start3A_200 : memref<1xi32, #tpu.memory_space<vmem>>) semaphore(%arg24 : memref<!tpu.dma_semaphore, #tpu.memory_space<semaphore_mem>>)
        %dma_wait3A_205 = arith.constant 0 : i32
        %dma_wait3A_206 = arith.constant 0 : i32
        %dma_wait3A_207 = tpu.memref_slice %arg10[%mul3A_35, %dma_wait3A_205, %dma_wait3A_206] : memref<576x128x256xf32, #tpu.memory_space<hbm>> -> memref<1x128x256xf32, #tpu.memory_space<hbm>>
        %dma_wait3A_208 = arith.constant 0 : i32
        %dma_wait3A_209 = arith.constant 0 : i32
        %dma_wait3A_210 = tpu.memref_slice %arg10[%mul3A_35, %dma_wait3A_208, %dma_wait3A_209] : memref<576x128x256xf32, #tpu.memory_space<hbm>> -> memref<1x128x256xf32, #tpu.memory_space<hbm>>
        tpu.wait_dma2 semaphore(%arg27 : memref<!tpu.dma_semaphore, #tpu.memory_space<semaphore_mem>>) src(%arg18 : memref<1x128x256xf32, #tpu.memory_space<vmem>>) dst(%dma_wait3A_210 : memref<1x128x256xf32, #tpu.memory_space<hbm>>)
        %add3A_211 = arith.constant 3 : i32
        %add3A_212 = arith.addi %mul3A_151, %add3A_211 : i32
        %dma_start3A_213 = arith.constant 0 : i32
        %dma_start3A_214 = tpu.memref_slice %arg16[%add3A_212, %dma_start3A_213] : memref<18x1xi32, #tpu.memory_space<vmem>> -> memref<1x1xi32, #tpu.memory_space<vmem>>
        %dma_start3A_215 = tpu.memref_squeeze %dma_start3A_214 : memref<1x1xi32, #tpu.memory_space<vmem>> -> memref<1xi32, #tpu.memory_space<vmem>>
        %dma_start3A_216 = arith.constant 0 : i32
        %dma_start3A_217 = arith.constant 0 : i32
        %dma_start3A_218 = arith.constant 0 : i32
        %dma_start3A_219 = tpu.memref_slice %arg2[%dma_start3A_216, %dma_start3A_217, %dma_start3A_218] : memref<768x128x256xf32, #tpu.memory_space<hbm>> -> memref<768x128x256xf32, #tpu.memory_space<hbm>>
        tpu.enqueue_indirect_dma source(%dma_start3A_219 : memref<768x128x256xf32, #tpu.memory_space<hbm>>) target(%arg18 : memref<1x128x256xf32, #tpu.memory_space<vmem>>) offsets(%dma_start3A_215 : memref<1xi32, #tpu.memory_space<vmem>>) semaphore(%arg25 : memref<!tpu.dma_semaphore, #tpu.memory_space<semaphore_mem>>)
      } else {
      }
    }
    %scan3A_57 = arith.constant 9 : i32
    %dma_wait3A_58 = arith.constant 0 : i32
    %dma_wait3A_59 = arith.constant 0 : i32
    %dma_wait3A_60 = tpu.memref_slice %arg10[%mul3A_35, %dma_wait3A_58, %dma_wait3A_59] : memref<576x128x256xf32, #tpu.memory_space<hbm>> -> memref<1x128x256xf32, #tpu.memory_space<hbm>>
    %dma_wait3A_61 = arith.constant 0 : i32
    %dma_wait3A_62 = arith.constant 0 : i32
    %dma_wait3A_63 = tpu.memref_slice %arg10[%mul3A_35, %dma_wait3A_61, %dma_wait3A_62] : memref<576x128x256xf32, #tpu.memory_space<hbm>> -> memref<1x128x256xf32, #tpu.memory_space<hbm>>
    tpu.wait_dma2 semaphore(%arg26 : memref<!tpu.dma_semaphore, #tpu.memory_space<semaphore_mem>>) src(%arg17 : memref<1x128x256xf32, #tpu.memory_space<vmem>>) dst(%dma_wait3A_63 : memref<1x128x256xf32, #tpu.memory_space<hbm>>)
    %dma_wait3A_64 = arith.constant 0 : i32
    %dma_wait3A_65 = arith.constant 0 : i32
    %dma_wait3A_66 = tpu.memref_slice %arg10[%mul3A_35, %dma_wait3A_64, %dma_wait3A_65] : memref<576x128x256xf32, #tpu.memory_space<hbm>> -> memref<1x128x256xf32, #tpu.memory_space<hbm>>
    %dma_wait3A_67 = arith.constant 0 : i32
    %dma_wait3A_68 = arith.constant 0 : i32
    %dma_wait3A_69 = tpu.memref_slice %arg10[%mul3A_35, %dma_wait3A_67, %dma_wait3A_68] : memref<576x128x256xf32, #tpu.memory_space<hbm>> -> memref<1x128x256xf32, #tpu.memory_space<hbm>>
    tpu.wait_dma2 semaphore(%arg27 : memref<!tpu.dma_semaphore, #tpu.memory_space<semaphore_mem>>) src(%arg18 : memref<1x128x256xf32, #tpu.memory_space<vmem>>) dst(%dma_wait3A_69 : memref<1x128x256xf32, #tpu.memory_space<hbm>>)
    %mul3A_70 = arith.constant 12 : i32
    %mul3A_71 = arith.muli %add3A, %mul3A_70 : i32
    %dma_start3A_72 = arith.constant 0 : i32
    %dma_start3A_73 = arith.constant 0 : i32
    %dma_start3A_74 = tpu.memref_slice %arg15[%dma_start3A_72, %dma_start3A_73] : memref<12x1xi32, #tpu.memory_space<vmem>> -> memref<1x1xi32, #tpu.memory_space<vmem>>
    %dma_start3A_75 = tpu.memref_squeeze %dma_start3A_74 : memref<1x1xi32, #tpu.memory_space<vmem>> -> memref<1xi32, #tpu.memory_space<vmem>>
    %dma_start3A_76 = arith.constant 0 : i32
    %dma_start3A_77 = arith.constant 0 : i32
    %dma_start3A_78 = arith.constant 0 : i32
    %dma_start3A_79 = tpu.memref_slice %arg3[%dma_start3A_76, %dma_start3A_77, %dma_start3A_78] : memref<768x128x256xf32, #tpu.memory_space<hbm>> -> memref<768x128x256xf32, #tpu.memory_space<hbm>>
    tpu.enqueue_indirect_dma source(%dma_start3A_79 : memref<768x128x256xf32, #tpu.memory_space<hbm>>) target(%arg17 : memref<1x128x256xf32, #tpu.memory_space<vmem>>) offsets(%dma_start3A_75 : memref<1xi32, #tpu.memory_space<vmem>>) semaphore(%arg24 : memref<!tpu.dma_semaphore, #tpu.memory_space<semaphore_mem>>)
    %dma_start3A_80 = arith.constant 1 : i32
    %dma_start3A_81 = arith.constant 0 : i32
    %dma_start3A_82 = tpu.memref_slice %arg15[%dma_start3A_80, %dma_start3A_81] : memref<12x1xi32, #tpu.memory_space<vmem>> -> memref<1x1xi32, #tpu.memory_space<vmem>>
    %dma_start3A_83 = tpu.memref_squeeze %dma_start3A_82 : memref<1x1xi32, #tpu.memory_space<vmem>> -> memref<1xi32, #tpu.memory_space<vmem>>
    %dma_start3A_84 = arith.constant 0 : i32
    %dma_start3A_85 = arith.constant 0 : i32
    %dma_start3A_86 = arith.constant 0 : i32
    %dma_start3A_87 = tpu.memref_slice %arg3[%dma_start3A_84, %dma_start3A_85, %dma_start3A_86] : memref<768x128x256xf32, #tpu.memory_space<hbm>> -> memref<768x128x256xf32, #tpu.memory_space<hbm>>
    tpu.enqueue_indirect_dma source(%dma_start3A_87 : memref<768x128x256xf32, #tpu.memory_space<hbm>>) target(%arg18 : memref<1x128x256xf32, #tpu.memory_space<vmem>>) offsets(%dma_start3A_83 : memref<1xi32, #tpu.memory_space<vmem>>) semaphore(%arg25 : memref<!tpu.dma_semaphore, #tpu.memory_space<semaphore_mem>>)
    %scan3A_88 = arith.constant 0 : i32
    %scan3A_89 = arith.constant 0 : i32
    %scan3A_90 = arith.constant 6 : i32
    %scan3A_91 = arith.addi %scan3A_89, %scan3A_90 : i32
    %scan3A_92 = arith.constant 1 : i32
    scf.for %scan3A_149 = %scan3A_89 to %scan3A_91 step %scan3A_92  : i32 {
      %mul3A_150 = arith.constant 2 : i32
      %mul3A_151 = arith.muli %mul3A_150, %scan3A_149 : i32
      %dma_wait3A_152 = arith.constant 0 : i32
      %dma_wait3A_153 = arith.constant 0 : i32
      %dma_wait3A_154 = arith.constant 0 : i32
      %dma_wait3A_155 = tpu.memref_slice %arg3[%dma_wait3A_152, %dma_wait3A_153, %dma_wait3A_154] : memref<768x128x256xf32, #tpu.memory_space<hbm>> -> memref<1x128x256xf32, #tpu.memory_space<hbm>>
      %dma_wait3A_156 = arith.constant 0 : i32
      %dma_wait3A_157 = arith.constant 0 : i32
      %dma_wait3A_158 = arith.constant 0 : i32
      %dma_wait3A_159 = tpu.memref_slice %arg3[%dma_wait3A_156, %dma_wait3A_157, %dma_wait3A_158] : memref<768x128x256xf32, #tpu.memory_space<hbm>> -> memref<1x128x256xf32, #tpu.memory_space<hbm>>
      tpu.wait_dma2 semaphore(%arg24 : memref<!tpu.dma_semaphore, #tpu.memory_space<semaphore_mem>>) src(%dma_wait3A_159 : memref<1x128x256xf32, #tpu.memory_space<hbm>>) dst(%arg17 : memref<1x128x256xf32, #tpu.memory_space<vmem>>)
      %add3A_160 = arith.addi %mul3A_71, %mul3A_151 : i32
      %dma_start3A_161 = arith.constant 0 : i32
      %dma_start3A_162 = arith.constant 0 : i32
      %dma_start3A_163 = tpu.memref_slice %arg11[%add3A_160, %dma_start3A_161, %dma_start3A_162] : memref<384x128x256xf32, #tpu.memory_space<hbm>> -> memref<1x128x256xf32, #tpu.memory_space<hbm>>
      %dma_start3A_164 = arith.constant 0 : i32
      %dma_start3A_165 = arith.constant 0 : i32
      %dma_start3A_166 = tpu.memref_slice %arg11[%add3A_160, %dma_start3A_164, %dma_start3A_165] : memref<384x128x256xf32, #tpu.memory_space<hbm>> -> memref<1x128x256xf32, #tpu.memory_space<hbm>>
      tpu.enqueue_dma source(%arg17 : memref<1x128x256xf32, #tpu.memory_space<vmem>>) target(%dma_start3A_166 : memref<1x128x256xf32, #tpu.memory_space<hbm>>) target_semaphore(%arg26 : memref<!tpu.dma_semaphore, #tpu.memory_space<semaphore_mem>>)
      %dma_wait3A_167 = arith.constant 0 : i32
      %dma_wait3A_168 = arith.constant 0 : i32
      %dma_wait3A_169 = arith.constant 0 : i32
      %dma_wait3A_170 = tpu.memref_slice %arg3[%dma_wait3A_167, %dma_wait3A_168, %dma_wait3A_169] : memref<768x128x256xf32, #tpu.memory_space<hbm>> -> memref<1x128x256xf32, #tpu.memory_space<hbm>>
      %dma_wait3A_171 = arith.constant 0 : i32
      %dma_wait3A_172 = arith.constant 0 : i32
      %dma_wait3A_173 = arith.constant 0 : i32
      %dma_wait3A_174 = tpu.memref_slice %arg3[%dma_wait3A_171, %dma_wait3A_172, %dma_wait3A_173] : memref<768x128x256xf32, #tpu.memory_space<hbm>> -> memref<1x128x256xf32, #tpu.memory_space<hbm>>
      tpu.wait_dma2 semaphore(%arg25 : memref<!tpu.dma_semaphore, #tpu.memory_space<semaphore_mem>>) src(%dma_wait3A_174 : memref<1x128x256xf32, #tpu.memory_space<hbm>>) dst(%arg18 : memref<1x128x256xf32, #tpu.memory_space<vmem>>)
      %add3A_175 = arith.constant 1 : i32
      %add3A_176 = arith.addi %mul3A_151, %add3A_175 : i32
      %add3A_177 = arith.addi %mul3A_71, %add3A_176 : i32
      %dma_start3A_178 = arith.constant 0 : i32
      %dma_start3A_179 = arith.constant 0 : i32
      %dma_start3A_180 = tpu.memref_slice %arg11[%add3A_177, %dma_start3A_178, %dma_start3A_179] : memref<384x128x256xf32, #tpu.memory_space<hbm>> -> memref<1x128x256xf32, #tpu.memory_space<hbm>>
      %dma_start3A_181 = arith.constant 0 : i32
      %dma_start3A_182 = arith.constant 0 : i32
      %dma_start3A_183 = tpu.memref_slice %arg11[%add3A_177, %dma_start3A_181, %dma_start3A_182] : memref<384x128x256xf32, #tpu.memory_space<hbm>> -> memref<1x128x256xf32, #tpu.memory_space<hbm>>
      tpu.enqueue_dma source(%arg18 : memref<1x128x256xf32, #tpu.memory_space<vmem>>) target(%dma_start3A_183 : memref<1x128x256xf32, #tpu.memory_space<hbm>>) target_semaphore(%arg27 : memref<!tpu.dma_semaphore, #tpu.memory_space<semaphore_mem>>)
      %add3A_184 = arith.constant 2 : i32
      %add3A_185 = arith.addi %mul3A_151, %add3A_184 : i32
      %lt3A = arith.constant 12 : i32
      %lt3A_186 = arith.cmpi slt, %add3A_185, %lt3A : i32
      %convert_element_type3A_187 = arith.extui %lt3A_186 : i1 to i32
      %cond3A_188 = arith.constant 0 : i32
      %cond3A_189 = arith.cmpi ne, %convert_element_type3A_187, %cond3A_188 : i32
      scf.if %cond3A_189 {
        %dma_wait3A_190 = arith.constant 0 : i32
        %dma_wait3A_191 = arith.constant 0 : i32
        %dma_wait3A_192 = tpu.memref_slice %arg11[%mul3A_71, %dma_wait3A_190, %dma_wait3A_191] : memref<384x128x256xf32, #tpu.memory_space<hbm>> -> memref<1x128x256xf32, #tpu.memory_space<hbm>>
        %dma_wait3A_193 = arith.constant 0 : i32
        %dma_wait3A_194 = arith.constant 0 : i32
        %dma_wait3A_195 = tpu.memref_slice %arg11[%mul3A_71, %dma_wait3A_193, %dma_wait3A_194] : memref<384x128x256xf32, #tpu.memory_space<hbm>> -> memref<1x128x256xf32, #tpu.memory_space<hbm>>
        tpu.wait_dma2 semaphore(%arg26 : memref<!tpu.dma_semaphore, #tpu.memory_space<semaphore_mem>>) src(%arg17 : memref<1x128x256xf32, #tpu.memory_space<vmem>>) dst(%dma_wait3A_195 : memref<1x128x256xf32, #tpu.memory_space<hbm>>)
        %add3A_196 = arith.constant 2 : i32
        %add3A_197 = arith.addi %mul3A_151, %add3A_196 : i32
        %dma_start3A_198 = arith.constant 0 : i32
        %dma_start3A_199 = tpu.memref_slice %arg15[%add3A_197, %dma_start3A_198] : memref<12x1xi32, #tpu.memory_space<vmem>> -> memref<1x1xi32, #tpu.memory_space<vmem>>
        %dma_start3A_200 = tpu.memref_squeeze %dma_start3A_199 : memref<1x1xi32, #tpu.memory_space<vmem>> -> memref<1xi32, #tpu.memory_space<vmem>>
        %dma_start3A_201 = arith.constant 0 : i32
        %dma_start3A_202 = arith.constant 0 : i32
        %dma_start3A_203 = arith.constant 0 : i32
        %dma_start3A_204 = tpu.memref_slice %arg3[%dma_start3A_201, %dma_start3A_202, %dma_start3A_203] : memref<768x128x256xf32, #tpu.memory_space<hbm>> -> memref<768x128x256xf32, #tpu.memory_space<hbm>>
        tpu.enqueue_indirect_dma source(%dma_start3A_204 : memref<768x128x256xf32, #tpu.memory_space<hbm>>) target(%arg17 : memref<1x128x256xf32, #tpu.memory_space<vmem>>) offsets(%dma_start3A_200 : memref<1xi32, #tpu.memory_space<vmem>>) semaphore(%arg24 : memref<!tpu.dma_semaphore, #tpu.memory_space<semaphore_mem>>)
        %dma_wait3A_205 = arith.constant 0 : i32
        %dma_wait3A_206 = arith.constant 0 : i32
        %dma_wait3A_207 = tpu.memref_slice %arg11[%mul3A_71, %dma_wait3A_205, %dma_wait3A_206] : memref<384x128x256xf32, #tpu.memory_space<hbm>> -> memref<1x128x256xf32, #tpu.memory_space<hbm>>
        %dma_wait3A_208 = arith.constant 0 : i32
        %dma_wait3A_209 = arith.constant 0 : i32
        %dma_wait3A_210 = tpu.memref_slice %arg11[%mul3A_71, %dma_wait3A_208, %dma_wait3A_209] : memref<384x128x256xf32, #tpu.memory_space<hbm>> -> memref<1x128x256xf32, #tpu.memory_space<hbm>>
        tpu.wait_dma2 semaphore(%arg27 : memref<!tpu.dma_semaphore, #tpu.memory_space<semaphore_mem>>) src(%arg18 : memref<1x128x256xf32, #tpu.memory_space<vmem>>) dst(%dma_wait3A_210 : memref<1x128x256xf32, #tpu.memory_space<hbm>>)
        %add3A_211 = arith.constant 3 : i32
        %add3A_212 = arith.addi %mul3A_151, %add3A_211 : i32
        %dma_start3A_213 = arith.constant 0 : i32
        %dma_start3A_214 = tpu.memref_slice %arg15[%add3A_212, %dma_start3A_213] : memref<12x1xi32, #tpu.memory_space<vmem>> -> memref<1x1xi32, #tpu.memory_space<vmem>>
        %dma_start3A_215 = tpu.memref_squeeze %dma_start3A_214 : memref<1x1xi32, #tpu.memory_space<vmem>> -> memref<1xi32, #tpu.memory_space<vmem>>
        %dma_start3A_216 = arith.constant 0 : i32
        %dma_start3A_217 = arith.constant 0 : i32
        %dma_start3A_218 = arith.constant 0 : i32
        %dma_start3A_219 = tpu.memref_slice %arg3[%dma_start3A_216, %dma_start3A_217, %dma_start3A_218] : memref<768x128x256xf32, #tpu.memory_space<hbm>> -> memref<768x128x256xf32, #tpu.memory_space<hbm>>
        tpu.enqueue_indirect_dma source(%dma_start3A_219 : memref<768x128x256xf32, #tpu.memory_space<hbm>>) target(%arg18 : memref<1x128x256xf32, #tpu.memory_space<vmem>>) offsets(%dma_start3A_215 : memref<1xi32, #tpu.memory_space<vmem>>) semaphore(%arg25 : memref<!tpu.dma_semaphore, #tpu.memory_space<semaphore_mem>>)
      } else {
      }
    }
    %scan3A_93 = arith.constant 6 : i32
    %dma_wait3A_94 = arith.constant 0 : i32
    %dma_wait3A_95 = arith.constant 0 : i32
    %dma_wait3A_96 = tpu.memref_slice %arg11[%mul3A_71, %dma_wait3A_94, %dma_wait3A_95] : memref<384x128x256xf32, #tpu.memory_space<hbm>> -> memref<1x128x256xf32, #tpu.memory_space<hbm>>
    %dma_wait3A_97 = arith.constant 0 : i32
    %dma_wait3A_98 = arith.constant 0 : i32
    %dma_wait3A_99 = tpu.memref_slice %arg11[%mul3A_71, %dma_wait3A_97, %dma_wait3A_98] : memref<384x128x256xf32, #tpu.memory_space<hbm>> -> memref<1x128x256xf32, #tpu.memory_space<hbm>>
    tpu.wait_dma2 semaphore(%arg26 : memref<!tpu.dma_semaphore, #tpu.memory_space<semaphore_mem>>) src(%arg17 : memref<1x128x256xf32, #tpu.memory_space<vmem>>) dst(%dma_wait3A_99 : memref<1x128x256xf32, #tpu.memory_space<hbm>>)
    %dma_wait3A_100 = arith.constant 0 : i32
    %dma_wait3A_101 = arith.constant 0 : i32
    %dma_wait3A_102 = tpu.memref_slice %arg11[%mul3A_71, %dma_wait3A_100, %dma_wait3A_101] : memref<384x128x256xf32, #tpu.memory_space<hbm>> -> memref<1x128x256xf32, #tpu.memory_space<hbm>>
    %dma_wait3A_103 = arith.constant 0 : i32
    %dma_wait3A_104 = arith.constant 0 : i32
    %dma_wait3A_105 = tpu.memref_slice %arg11[%mul3A_71, %dma_wait3A_103, %dma_wait3A_104] : memref<384x128x256xf32, #tpu.memory_space<hbm>> -> memref<1x128x256xf32, #tpu.memory_space<hbm>>
    tpu.wait_dma2 semaphore(%arg27 : memref<!tpu.dma_semaphore, #tpu.memory_space<semaphore_mem>>) src(%arg18 : memref<1x128x256xf32, #tpu.memory_space<vmem>>) dst(%dma_wait3A_105 : memref<1x128x256xf32, #tpu.memory_space<hbm>>)
    %mul3A_106 = arith.constant 18 : i32
    %mul3A_107 = arith.muli %add3A, %mul3A_106 : i32
    %dma_start3A_108 = arith.constant 0 : i32
    %dma_start3A_109 = arith.constant 0 : i32
    %dma_start3A_110 = tpu.memref_slice %arg16[%dma_start3A_108, %dma_start3A_109] : memref<18x1xi32, #tpu.memory_space<vmem>> -> memref<1x1xi32, #tpu.memory_space<vmem>>
    %dma_start3A_111 = tpu.memref_squeeze %dma_start3A_110 : memref<1x1xi32, #tpu.memory_space<vmem>> -> memref<1xi32, #tpu.memory_space<vmem>>
    %dma_start3A_112 = arith.constant 0 : i32
    %dma_start3A_113 = arith.constant 0 : i32
    %dma_start3A_114 = arith.constant 0 : i32
    %dma_start3A_115 = tpu.memref_slice %arg3[%dma_start3A_112, %dma_start3A_113, %dma_start3A_114] : memref<768x128x256xf32, #tpu.memory_space<hbm>> -> memref<768x128x256xf32, #tpu.memory_space<hbm>>
    tpu.enqueue_indirect_dma source(%dma_start3A_115 : memref<768x128x256xf32, #tpu.memory_space<hbm>>) target(%arg17 : memref<1x128x256xf32, #tpu.memory_space<vmem>>) offsets(%dma_start3A_111 : memref<1xi32, #tpu.memory_space<vmem>>) semaphore(%arg24 : memref<!tpu.dma_semaphore, #tpu.memory_space<semaphore_mem>>)
    %dma_start3A_116 = arith.constant 1 : i32
    %dma_start3A_117 = arith.constant 0 : i32
    %dma_start3A_118 = tpu.memref_slice %arg16[%dma_start3A_116, %dma_start3A_117] : memref<18x1xi32, #tpu.memory_space<vmem>> -> memref<1x1xi32, #tpu.memory_space<vmem>>
    %dma_start3A_119 = tpu.memref_squeeze %dma_start3A_118 : memref<1x1xi32, #tpu.memory_space<vmem>> -> memref<1xi32, #tpu.memory_space<vmem>>
    %dma_start3A_120 = arith.constant 0 : i32
    %dma_start3A_121 = arith.constant 0 : i32
    %dma_start3A_122 = arith.constant 0 : i32
    %dma_start3A_123 = tpu.memref_slice %arg3[%dma_start3A_120, %dma_start3A_121, %dma_start3A_122] : memref<768x128x256xf32, #tpu.memory_space<hbm>> -> memref<768x128x256xf32, #tpu.memory_space<hbm>>
    tpu.enqueue_indirect_dma source(%dma_start3A_123 : memref<768x128x256xf32, #tpu.memory_space<hbm>>) target(%arg18 : memref<1x128x256xf32, #tpu.memory_space<vmem>>) offsets(%dma_start3A_119 : memref<1xi32, #tpu.memory_space<vmem>>) semaphore(%arg25 : memref<!tpu.dma_semaphore, #tpu.memory_space<semaphore_mem>>)
    %scan3A_124 = arith.constant 0 : i32
    %scan3A_125 = arith.constant 0 : i32
    %scan3A_126 = arith.constant 9 : i32
    %scan3A_127 = arith.addi %scan3A_125, %scan3A_126 : i32
    %scan3A_128 = arith.constant 1 : i32
    scf.for %scan3A_149 = %scan3A_125 to %scan3A_127 step %scan3A_128  : i32 {
      %mul3A_150 = arith.constant 2 : i32
      %mul3A_151 = arith.muli %mul3A_150, %scan3A_149 : i32
      %dma_wait3A_152 = arith.constant 0 : i32
      %dma_wait3A_153 = arith.constant 0 : i32
      %dma_wait3A_154 = arith.constant 0 : i32
      %dma_wait3A_155 = tpu.memref_slice %arg3[%dma_wait3A_152, %dma_wait3A_153, %dma_wait3A_154] : memref<768x128x256xf32, #tpu.memory_space<hbm>> -> memref<1x128x256xf32, #tpu.memory_space<hbm>>
      %dma_wait3A_156 = arith.constant 0 : i32
      %dma_wait3A_157 = arith.constant 0 : i32
      %dma_wait3A_158 = arith.constant 0 : i32
      %dma_wait3A_159 = tpu.memref_slice %arg3[%dma_wait3A_156, %dma_wait3A_157, %dma_wait3A_158] : memref<768x128x256xf32, #tpu.memory_space<hbm>> -> memref<1x128x256xf32, #tpu.memory_space<hbm>>
      tpu.wait_dma2 semaphore(%arg24 : memref<!tpu.dma_semaphore, #tpu.memory_space<semaphore_mem>>) src(%dma_wait3A_159 : memref<1x128x256xf32, #tpu.memory_space<hbm>>) dst(%arg17 : memref<1x128x256xf32, #tpu.memory_space<vmem>>)
      %add3A_160 = arith.addi %mul3A_107, %mul3A_151 : i32
      %dma_start3A_161 = arith.constant 0 : i32
      %dma_start3A_162 = arith.constant 0 : i32
      %dma_start3A_163 = tpu.memref_slice %arg12[%add3A_160, %dma_start3A_161, %dma_start3A_162] : memref<576x128x256xf32, #tpu.memory_space<hbm>> -> memref<1x128x256xf32, #tpu.memory_space<hbm>>
      %dma_start3A_164 = arith.constant 0 : i32
      %dma_start3A_165 = arith.constant 0 : i32
      %dma_start3A_166 = tpu.memref_slice %arg12[%add3A_160, %dma_start3A_164, %dma_start3A_165] : memref<576x128x256xf32, #tpu.memory_space<hbm>> -> memref<1x128x256xf32, #tpu.memory_space<hbm>>
      tpu.enqueue_dma source(%arg17 : memref<1x128x256xf32, #tpu.memory_space<vmem>>) target(%dma_start3A_166 : memref<1x128x256xf32, #tpu.memory_space<hbm>>) target_semaphore(%arg26 : memref<!tpu.dma_semaphore, #tpu.memory_space<semaphore_mem>>)
      %dma_wait3A_167 = arith.constant 0 : i32
      %dma_wait3A_168 = arith.constant 0 : i32
      %dma_wait3A_169 = arith.constant 0 : i32
      %dma_wait3A_170 = tpu.memref_slice %arg3[%dma_wait3A_167, %dma_wait3A_168, %dma_wait3A_169] : memref<768x128x256xf32, #tpu.memory_space<hbm>> -> memref<1x128x256xf32, #tpu.memory_space<hbm>>
      %dma_wait3A_171 = arith.constant 0 : i32
      %dma_wait3A_172 = arith.constant 0 : i32
      %dma_wait3A_173 = arith.constant 0 : i32
      %dma_wait3A_174 = tpu.memref_slice %arg3[%dma_wait3A_171, %dma_wait3A_172, %dma_wait3A_173] : memref<768x128x256xf32, #tpu.memory_space<hbm>> -> memref<1x128x256xf32, #tpu.memory_space<hbm>>
      tpu.wait_dma2 semaphore(%arg25 : memref<!tpu.dma_semaphore, #tpu.memory_space<semaphore_mem>>) src(%dma_wait3A_174 : memref<1x128x256xf32, #tpu.memory_space<hbm>>) dst(%arg18 : memref<1x128x256xf32, #tpu.memory_space<vmem>>)
      %add3A_175 = arith.constant 1 : i32
      %add3A_176 = arith.addi %mul3A_151, %add3A_175 : i32
      %add3A_177 = arith.addi %mul3A_107, %add3A_176 : i32
      %dma_start3A_178 = arith.constant 0 : i32
      %dma_start3A_179 = arith.constant 0 : i32
      %dma_start3A_180 = tpu.memref_slice %arg12[%add3A_177, %dma_start3A_178, %dma_start3A_179] : memref<576x128x256xf32, #tpu.memory_space<hbm>> -> memref<1x128x256xf32, #tpu.memory_space<hbm>>
      %dma_start3A_181 = arith.constant 0 : i32
      %dma_start3A_182 = arith.constant 0 : i32
      %dma_start3A_183 = tpu.memref_slice %arg12[%add3A_177, %dma_start3A_181, %dma_start3A_182] : memref<576x128x256xf32, #tpu.memory_space<hbm>> -> memref<1x128x256xf32, #tpu.memory_space<hbm>>
      tpu.enqueue_dma source(%arg18 : memref<1x128x256xf32, #tpu.memory_space<vmem>>) target(%dma_start3A_183 : memref<1x128x256xf32, #tpu.memory_space<hbm>>) target_semaphore(%arg27 : memref<!tpu.dma_semaphore, #tpu.memory_space<semaphore_mem>>)
      %add3A_184 = arith.constant 2 : i32
      %add3A_185 = arith.addi %mul3A_151, %add3A_184 : i32
      %lt3A = arith.constant 18 : i32
      %lt3A_186 = arith.cmpi slt, %add3A_185, %lt3A : i32
      %convert_element_type3A_187 = arith.extui %lt3A_186 : i1 to i32
      %cond3A_188 = arith.constant 0 : i32
      %cond3A_189 = arith.cmpi ne, %convert_element_type3A_187, %cond3A_188 : i32
      scf.if %cond3A_189 {
        %dma_wait3A_190 = arith.constant 0 : i32
        %dma_wait3A_191 = arith.constant 0 : i32
        %dma_wait3A_192 = tpu.memref_slice %arg12[%mul3A_107, %dma_wait3A_190, %dma_wait3A_191] : memref<576x128x256xf32, #tpu.memory_space<hbm>> -> memref<1x128x256xf32, #tpu.memory_space<hbm>>
        %dma_wait3A_193 = arith.constant 0 : i32
        %dma_wait3A_194 = arith.constant 0 : i32
        %dma_wait3A_195 = tpu.memref_slice %arg12[%mul3A_107, %dma_wait3A_193, %dma_wait3A_194] : memref<576x128x256xf32, #tpu.memory_space<hbm>> -> memref<1x128x256xf32, #tpu.memory_space<hbm>>
        tpu.wait_dma2 semaphore(%arg26 : memref<!tpu.dma_semaphore, #tpu.memory_space<semaphore_mem>>) src(%arg17 : memref<1x128x256xf32, #tpu.memory_space<vmem>>) dst(%dma_wait3A_195 : memref<1x128x256xf32, #tpu.memory_space<hbm>>)
        %add3A_196 = arith.constant 2 : i32
        %add3A_197 = arith.addi %mul3A_151, %add3A_196 : i32
        %dma_start3A_198 = arith.constant 0 : i32
        %dma_start3A_199 = tpu.memref_slice %arg16[%add3A_197, %dma_start3A_198] : memref<18x1xi32, #tpu.memory_space<vmem>> -> memref<1x1xi32, #tpu.memory_space<vmem>>
        %dma_start3A_200 = tpu.memref_squeeze %dma_start3A_199 : memref<1x1xi32, #tpu.memory_space<vmem>> -> memref<1xi32, #tpu.memory_space<vmem>>
        %dma_start3A_201 = arith.constant 0 : i32
        %dma_start3A_202 = arith.constant 0 : i32
        %dma_start3A_203 = arith.constant 0 : i32
        %dma_start3A_204 = tpu.memref_slice %arg3[%dma_start3A_201, %dma_start3A_202, %dma_start3A_203] : memref<768x128x256xf32, #tpu.memory_space<hbm>> -> memref<768x128x256xf32, #tpu.memory_space<hbm>>
        tpu.enqueue_indirect_dma source(%dma_start3A_204 : memref<768x128x256xf32, #tpu.memory_space<hbm>>) target(%arg17 : memref<1x128x256xf32, #tpu.memory_space<vmem>>) offsets(%dma_start3A_200 : memref<1xi32, #tpu.memory_space<vmem>>) semaphore(%arg24 : memref<!tpu.dma_semaphore, #tpu.memory_space<semaphore_mem>>)
        %dma_wait3A_205 = arith.constant 0 : i32
        %dma_wait3A_206 = arith.constant 0 : i32
        %dma_wait3A_207 = tpu.memref_slice %arg12[%mul3A_107, %dma_wait3A_205, %dma_wait3A_206] : memref<576x128x256xf32, #tpu.memory_space<hbm>> -> memref<1x128x256xf32, #tpu.memory_space<hbm>>
        %dma_wait3A_208 = arith.constant 0 : i32
        %dma_wait3A_209 = arith.constant 0 : i32
        %dma_wait3A_210 = tpu.memref_slice %arg12[%mul3A_107, %dma_wait3A_208, %dma_wait3A_209] : memref<576x128x256xf32, #tpu.memory_space<hbm>> -> memref<1x128x256xf32, #tpu.memory_space<hbm>>
        tpu.wait_dma2 semaphore(%arg27 : memref<!tpu.dma_semaphore, #tpu.memory_space<semaphore_mem>>) src(%arg18 : memref<1x128x256xf32, #tpu.memory_space<vmem>>) dst(%dma_wait3A_210 : memref<1x128x256xf32, #tpu.memory_space<hbm>>)
        %add3A_211 = arith.constant 3 : i32
        %add3A_212 = arith.addi %mul3A_151, %add3A_211 : i32
        %dma_start3A_213 = arith.constant 0 : i32
        %dma_start3A_214 = tpu.memref_slice %arg16[%add3A_212, %dma_start3A_213] : memref<18x1xi32, #tpu.memory_space<vmem>> -> memref<1x1xi32, #tpu.memory_space<vmem>>
        %dma_start3A_215 = tpu.memref_squeeze %dma_start3A_214 : memref<1x1xi32, #tpu.memory_space<vmem>> -> memref<1xi32, #tpu.memory_space<vmem>>
        %dma_start3A_216 = arith.constant 0 : i32
        %dma_start3A_217 = arith.constant 0 : i32
        %dma_start3A_218 = arith.constant 0 : i32
        %dma_start3A_219 = tpu.memref_slice %arg3[%dma_start3A_216, %dma_start3A_217, %dma_start3A_218] : memref<768x128x256xf32, #tpu.memory_space<hbm>> -> memref<768x128x256xf32, #tpu.memory_space<hbm>>
        tpu.enqueue_indirect_dma source(%dma_start3A_219 : memref<768x128x256xf32, #tpu.memory_space<hbm>>) target(%arg18 : memref<1x128x256xf32, #tpu.memory_space<vmem>>) offsets(%dma_start3A_215 : memref<1xi32, #tpu.memory_space<vmem>>) semaphore(%arg25 : memref<!tpu.dma_semaphore, #tpu.memory_space<semaphore_mem>>)
      } else {
      }
    }
    %scan3A_129 = arith.constant 9 : i32
    %dma_wait3A_130 = arith.constant 0 : i32
    %dma_wait3A_131 = arith.constant 0 : i32
    %dma_wait3A_132 = tpu.memref_slice %arg12[%mul3A_107, %dma_wait3A_130, %dma_wait3A_131] : memref<576x128x256xf32, #tpu.memory_space<hbm>> -> memref<1x128x256xf32, #tpu.memory_space<hbm>>
    %dma_wait3A_133 = arith.constant 0 : i32
    %dma_wait3A_134 = arith.constant 0 : i32
    %dma_wait3A_135 = tpu.memref_slice %arg12[%mul3A_107, %dma_wait3A_133, %dma_wait3A_134] : memref<576x128x256xf32, #tpu.memory_space<hbm>> -> memref<1x128x256xf32, #tpu.memory_space<hbm>>
    tpu.wait_dma2 semaphore(%arg26 : memref<!tpu.dma_semaphore, #tpu.memory_space<semaphore_mem>>) src(%arg17 : memref<1x128x256xf32, #tpu.memory_space<vmem>>) dst(%dma_wait3A_135 : memref<1x128x256xf32, #tpu.memory_space<hbm>>)
    %dma_wait3A_136 = arith.constant 0 : i32
    %dma_wait3A_137 = arith.constant 0 : i32
    %dma_wait3A_138 = tpu.memref_slice %arg12[%mul3A_107, %dma_wait3A_136, %dma_wait3A_137] : memref<576x128x256xf32, #tpu.memory_space<hbm>> -> memref<1x128x256xf32, #tpu.memory_space<hbm>>
    %dma_wait3A_139 = arith.constant 0 : i32
    %dma_wait3A_140 = arith.constant 0 : i32
    %dma_wait3A_141 = tpu.memref_slice %arg12[%mul3A_107, %dma_wait3A_139, %dma_wait3A_140] : memref<576x128x256xf32, #tpu.memory_space<hbm>> -> memref<1x128x256xf32, #tpu.memory_space<hbm>>
    tpu.wait_dma2 semaphore(%arg27 : memref<!tpu.dma_semaphore, #tpu.memory_space<semaphore_mem>>) src(%arg18 : memref<1x128x256xf32, #tpu.memory_space<vmem>>) dst(%dma_wait3A_141 : memref<1x128x256xf32, #tpu.memory_space<hbm>>)
    %eq3A = arith.constant 0 : i32
    %eq3A_142 = arith.cmpi eq, %add3A, %eq3A : i32
    %convert_element_type3A = arith.extui %eq3A_142 : i1 to i32
    %cond3A = arith.constant 0 : i32
    %cond3A_143 = arith.cmpi ne, %convert_element_type3A, %cond3A : i32
    scf.if %cond3A_143 {
      "tpu.region"() ({
        %run_scoped3A = tpu.sem_alloc : memref<!tpu.dma_semaphore, #tpu.memory_space<semaphore_mem>>
        tpu.enqueue_dma source(%arg7 : memref<64xi32, #tpu.memory_space<hbm>>) target(%arg19 : memref<64xi32, #tpu.memory_space<vmem>>) target_semaphore(%run_scoped3A : memref<!tpu.dma_semaphore, #tpu.memory_space<semaphore_mem>>)
        tpu.wait_dma2 semaphore(%run_scoped3A : memref<!tpu.dma_semaphore, #tpu.memory_space<semaphore_mem>>) src(%arg7 : memref<64xi32, #tpu.memory_space<hbm>>) dst(%arg19 : memref<64xi32, #tpu.memory_space<vmem>>)
        tpu.yield
      }) : () -> ()
      %dma_start3A_149 = arith.constant 0 : i32
      %dma_start3A_150 = arith.constant 0 : i32
      %dma_start3A_151 = tpu.memref_slice %arg4[%dma_start3A_149, %dma_start3A_150] : memref<128x128xf32, #tpu.memory_space<hbm>> -> memref<128x128xf32, #tpu.memory_space<hbm>>
      tpu.enqueue_indirect_dma source(%dma_start3A_151 : memref<128x128xf32, #tpu.memory_space<hbm>>) target(%arg21 : memref<64x128xf32, #tpu.memory_space<vmem>>) offsets(%arg19 : memref<64xi32, #tpu.memory_space<vmem>>) semaphore(%arg23 : memref<!tpu.dma_semaphore, #tpu.memory_space<semaphore_mem>>)
      %dma_wait3A_152 = arith.constant 0 : i32
      %dma_wait3A_153 = arith.constant 0 : i32
      %dma_wait3A_154 = tpu.memref_slice %arg4[%dma_wait3A_152, %dma_wait3A_153] : memref<128x128xf32, #tpu.memory_space<hbm>> -> memref<128x128xf32, #tpu.memory_space<hbm>>
      tpu.wait_indirect_dma semaphore(%arg23 : memref<!tpu.dma_semaphore, #tpu.memory_space<semaphore_mem>>) src(%dma_wait3A_154 : memref<128x128xf32, #tpu.memory_space<hbm>>) dst(%arg21 : memref<64x128xf32, #tpu.memory_space<vmem>>)
      "tpu.region"() ({
        %run_scoped3A = tpu.sem_alloc : memref<!tpu.dma_semaphore, #tpu.memory_space<semaphore_mem>>
        tpu.enqueue_dma source(%arg21 : memref<64x128xf32, #tpu.memory_space<vmem>>) target(%arg13 : memref<64x128xf32, #tpu.memory_space<hbm>>) target_semaphore(%run_scoped3A : memref<!tpu.dma_semaphore, #tpu.memory_space<semaphore_mem>>)
        tpu.wait_dma2 semaphore(%run_scoped3A : memref<!tpu.dma_semaphore, #tpu.memory_space<semaphore_mem>>) src(%arg21 : memref<64x128xf32, #tpu.memory_space<vmem>>) dst(%arg13 : memref<64x128xf32, #tpu.memory_space<hbm>>)
        tpu.yield
      }) : () -> ()
    } else {
    }
    %eq3A_144 = arith.constant 1 : i32
    %eq3A_145 = arith.cmpi eq, %add3A, %eq3A_144 : i32
    %convert_element_type3A_146 = arith.extui %eq3A_145 : i1 to i32
    %cond3A_147 = arith.constant 0 : i32
    %cond3A_148 = arith.cmpi ne, %convert_element_type3A_146, %cond3A_147 : i32
    scf.if %cond3A_148 {
      "tpu.region"() ({
        %run_scoped3A = tpu.sem_alloc : memref<!tpu.dma_semaphore, #tpu.memory_space<semaphore_mem>>
        tpu.enqueue_dma source(%arg8 : memref<96xi32, #tpu.memory_space<hbm>>) target(%arg20 : memref<96xi32, #tpu.memory_space<vmem>>) target_semaphore(%run_scoped3A : memref<!tpu.dma_semaphore, #tpu.memory_space<semaphore_mem>>)
        tpu.wait_dma2 semaphore(%run_scoped3A : memref<!tpu.dma_semaphore, #tpu.memory_space<semaphore_mem>>) src(%arg8 : memref<96xi32, #tpu.memory_space<hbm>>) dst(%arg20 : memref<96xi32, #tpu.memory_space<vmem>>)
        tpu.yield
      }) : () -> ()
      %dma_start3A_149 = arith.constant 0 : i32
      %dma_start3A_150 = arith.constant 0 : i32
      %dma_start3A_151 = tpu.memref_slice %arg4[%dma_start3A_149, %dma_start3A_150] : memref<128x128xf32, #tpu.memory_space<hbm>> -> memref<128x128xf32, #tpu.memory_space<hbm>>
      tpu.enqueue_indirect_dma source(%dma_start3A_151 : memref<128x128xf32, #tpu.memory_space<hbm>>) target(%arg22 : memref<96x128xf32, #tpu.memory_space<vmem>>) offsets(%arg20 : memref<96xi32, #tpu.memory_space<vmem>>) semaphore(%arg23 : memref<!tpu.dma_semaphore, #tpu.memory_space<semaphore_mem>>)
      %dma_wait3A_152 = arith.constant 0 : i32
      %dma_wait3A_153 = arith.constant 0 : i32
      %dma_wait3A_154 = tpu.memref_slice %arg4[%dma_wait3A_152, %dma_wait3A_153] : memref<128x128xf32, #tpu.memory_space<hbm>> -> memref<128x128xf32, #tpu.memory_space<hbm>>
      tpu.wait_indirect_dma semaphore(%arg23 : memref<!tpu.dma_semaphore, #tpu.memory_space<semaphore_mem>>) src(%dma_wait3A_154 : memref<128x128xf32, #tpu.memory_space<hbm>>) dst(%arg22 : memref<96x128xf32, #tpu.memory_space<vmem>>)
      "tpu.region"() ({
        %run_scoped3A = tpu.sem_alloc : memref<!tpu.dma_semaphore, #tpu.memory_space<semaphore_mem>>
        tpu.enqueue_dma source(%arg22 : memref<96x128xf32, #tpu.memory_space<vmem>>) target(%arg14 : memref<96x128xf32, #tpu.memory_space<hbm>>) target_semaphore(%run_scoped3A : memref<!tpu.dma_semaphore, #tpu.memory_space<semaphore_mem>>)
        tpu.wait_dma2 semaphore(%run_scoped3A : memref<!tpu.dma_semaphore, #tpu.memory_space<semaphore_mem>>) src(%arg22 : memref<96x128xf32, #tpu.memory_space<vmem>>) dst(%arg14 : memref<96x128xf32, #tpu.memory_space<hbm>>)
        tpu.yield
      }) : () -> ()
    } else {
    }
    return
  }
}

</mosaic_0001>

<sc_bundles>
// kernel: kernel.3.cloned.1.call-start
scs
__scs_entry_jumppad:
0x0: {  	(pc) =	sbr.rel $0x88, $3  }
0x1: {  	(tag) =	ssettag $0x0;
	lr =	simm.s32 $0x1  }
0x2: {  	[smem:$0x3F9D] =	sst lr;
	_ =	strace $0xD0000000  }
0x3: {  	_ = 	snop  }
0x4: {  	_ = 	snop  }
0x5: {  	_ = 	snop  }
0x6: {  	_ = 	snop  }
0x7: {  	_ = 	snop  }
__scs_overlays_trampoline_lowered:
0x8: {  	[smem:$0x3FAC] =	sst s0  }
0x9: {  	[smem:$0x3FAD] =	sst s1  }
0xa: {  	[smem:$0x3FAE] =	sst s2  }
0xb: {  	[smem:$0x3FAF] =	sst s3  }
0xc: {  	[smem:$0x3FB0] =	sst s4  }
0xd: {  	[smem:$0x3FB1] =	sst s5  }
0xe: {  	[smem:$0x3FB2] =	sst s6  }
0xf: {  	[smem:$0x3FB3] =	sst s7  }
0x10: {  	[smem:$0x3FB4] =	sst s8  }
0x11: {  	[smem:$0x3FB5] =	sst s9;
	s0 =	simm.s32 @!p0 $0x0  }
0x12: {  	s1 =	sld [smem:$0x3F9B];
	s0 =	simm.s32 @p0 $0x1  }
0x13: {  	[smem:$0x3FB6] =	sst s0;
	s0 =	simm.s32 @!p1 $0x0  }
0x14: {  	s2 =	sld [smem:$0x3F9A];
	s0 =	simm.s32 @p1 $0x1  }
0x15: {  	[smem:$0x3FB7] =	sst s0;
	s0 =	simm.s32 @!p2 $0x0  }
0x16: {  	s3 =	sld [smem:$0x3FDB];
	s0 =	simm.s32 @p2 $0x1  }
0x17: {  	s4 =	simm.s32 $0x1BF5;
	[smem:$0x3FB9] =	sst s0  }
0x18: {  	s0 =	sld [smem:$0x3F9C];
	_ =	swait.ge [sflag:s4], $0x0  }
0x19: {  	s7 =	sld [smem:$0x3F9D]  }
0x1a: {  	s8 =	sadd.s32 $0xFFFFE003, lr  }
0x1b: {  	s9 =	sadd.s32 $0xFFFFFEF7, lr;
	s5 =	simm.s32 $0xFFFFFFFF;
	p2 =	slt.u32 s8, $0xFFFFF086  }
0x1c: {  	p1 =	slt.u32 s9, $0xF7A;
	s5 =	simm.s32 @!p2 $0x0  }
0x1d: {  	s5 =	simm.s32 @p1 $0x1;
	p0 =	seq.s32 s7, s2  }
0x1e: {  	s7 =	smul.u32 @!p0 $0xF7A, s2;
	p2 =	seq.s32 @!p0 s5, $0x0  }
0x1f: {  	s9 =	smul.u32 $0xF7A, s1;
	s8 =	simm.s32 @!p0 $0x1BF5;
	p2 =	por !p2, p0  }
0x20: {  	[sflag:s8] =	ssyncset.s32 @!p0 $0xFFFFF086;
	s6 =	sadd.s32 @!p0 s3, s7;
	s7 =	simm.s32 @!p0 $0x108  }
0x21: {  	s3 =	sadd.s32 s3, s9;
	s6 =	sadd.s32 @!p0 $0x88, s6;
	s7 =	simm.s32 @p2 $0x1082  }
0x22: {  	[simem:s7], [sflag:s8] =	dma.local @!p0 [hbm:s6], $0xF7A  }
0x23: {  	s9 =	sor.u32 $0xD0000000, s2;
	s6 =	simm.s32 $0x108;
	_ =	swait.ge @!p0 [sflag:s8], $0x0  }
0x24: {  	s3 =	sadd.s32 $0x88, s3;
	s6 =	simm.s32 @!p1 $0x1082;
	[sflag:s4] =	ssyncset.s32 $0xFFFFF086  }
0x25: {  	[simem:s6], [sflag:s4] =	dma.local [hbm:s3], $0xF7A  }
0x26: {  	[smem:$0x3F9D] =	sst s1;
	(tag) =	ssettag s2;
	_ =	strace s9  }
0x27: {  	s1 =	sld [smem:$0x3FAD]  }
0x28: {  	s2 =	sld [smem:$0x3FAE]  }
0x29: {  	s4 =	sld [smem:$0x3FB0]  }
0x2a: {  	p0 =	seq.s32 s5, $0x0;
	s5 =	sld [smem:$0x3FB1]  }
0x2b: {  	s6 =	sld [smem:$0x3FB2]  }
0x2c: {  	s7 =	sld [smem:$0x3FB3]  }
0x2d: {  	s3 =	simm.s32 $0x108;
	s8 =	sld [smem:$0x3FB4]  }
0x2e: {  	s3 =	simm.s32 @!p0 $0x1082;
	s9 =	sld [smem:$0x3FB5]  }
0x2f: {  	lr =	sadd.s32 s0, s3;
	s0 =	sld [smem:$0x3FAC]  }
0x30: {  	s3 =	sld [smem:$0x3FAF]  }
0x31: {  	[smem:$0x3FB8] =	sst s10  }
0x32: {  	s10 =	sld [smem:$0x3FB6];
	_ =	sdelay $0x3  }
0x33: {  	p0 =	seq.s32 s10, $0x1;
	s10 =	sld [smem:$0x3FB8];
	_ =	sdelay $0x3  }
0x34: {  	[smem:$0x3FB8] =	sst s10  }
0x35: {  	s10 =	sld [smem:$0x3FB7];
	_ =	sdelay $0x3  }
0x36: {  	p1 =	seq.s32 s10, $0x1;
	s10 =	sld [smem:$0x3FB8];
	_ =	sdelay $0x3  }
0x37: {  	[smem:$0x3FB8] =	sst s10  }
0x38: {  	s10 =	sld [smem:$0x3FB9]  }
0x39: {  	_ = 	snop;
	(pc) =	sbr.ind lr, $3  }
0x3a: {  	_ = 	snop  }
0x3b: {  	_ = 	snop  }
0x3c: {  	p2 =	seq.s32 s10, $0x1;
	s10 =	sld [smem:$0x3FB8]  }
0x3d: {  	_ =	shalt  }
0x3e: {  	_ =	shalt  }
0x3f: {  	_ =	shalt  }
0x40: {  	_ =	shalt  }
0x41: {  	_ =	shalt  }
0x42: {  	_ =	shalt  }
0x43: {  	_ =	shalt  }
0x44: {  	_ =	shalt  }
0x45: {  	_ =	shalt  }
0x46: {  	_ =	shalt  }
0x47: {  	_ =	shalt  }
0x48: {  	_ =	shalt  }
0x49: {  	_ =	shalt  }
0x4a: {  	_ =	shalt  }
0x4b: {  	_ =	shalt  }
0x4c: {  	_ =	shalt  }
0x4d: {  	_ =	shalt  }
0x4e: {  	_ =	shalt  }
0x4f: {  	_ =	shalt  }
0x50: {  	_ =	shalt  }
0x51: {  	_ =	shalt  }
0x52: {  	_ =	shalt  }
0x53: {  	_ =	shalt  }
0x54: {  	_ =	shalt  }
0x55: {  	_ =	shalt  }
0x56: {  	_ =	shalt  }
0x57: {  	_ =	shalt  }
0x58: {  	_ =	shalt  }
0x59: {  	_ =	shalt  }
0x5a: {  	_ =	shalt  }
0x5b: {  	_ =	shalt  }
0x5c: {  	_ =	shalt  }
0x5d: {  	_ =	shalt  }
0x5e: {  	_ =	shalt  }
0x5f: {  	_ =	shalt  }
0x60: {  	_ =	shalt  }
0x61: {  	_ =	shalt  }
0x62: {  	_ =	shalt  }
0x63: {  	_ =	shalt  }
0x64: {  	_ =	shalt  }
0x65: {  	_ =	shalt  }
0x66: {  	_ =	shalt  }
0x67: {  	_ =	shalt  }
0x68: {  	_ =	shalt  }
0x69: {  	_ =	shalt  }
0x6a: {  	_ =	shalt  }
0x6b: {  	_ =	shalt  }
0x6c: {  	_ =	shalt  }
0x6d: {  	_ =	shalt  }
0x6e: {  	_ =	shalt  }
0x6f: {  	_ =	shalt  }
0x70: {  	_ =	shalt  }
0x71: {  	_ =	shalt  }
0x72: {  	_ =	shalt  }
0x73: {  	_ =	shalt  }
0x74: {  	_ =	shalt  }
0x75: {  	_ =	shalt  }
0x76: {  	_ =	shalt  }
0x77: {  	_ =	shalt  }
0x78: {  	_ =	shalt  }
0x79: {  	_ =	shalt  }
0x7a: {  	_ =	shalt  }
0x7b: {  	_ =	shalt  }
0x7c: {  	_ =	shalt  }
0x7d: {  	_ =	shalt  }
0x7e: {  	_ =	shalt  }
0x7f: {  	_ =	shalt  }
0x80: {  	_ =	shalt  }
0x81: {  	_ =	shalt  }
0x82: {  	_ =	shalt  }
0x83: {  	_ =	shalt  }
0x84: {  	_ =	shalt  }
0x85: {  	_ =	shalt  }
0x86: {  	_ =	shalt  }
0x87: {  	_ =	shalt  }
.Lfunc_end0:
.L_simem_size_0:
called_computation_lowered:
.L_overlay_start_0:
0x88: {  	s2 =	sld [smem:$0x3FD9]  }
0x89: {  	s3 =	sld [smem:$0x3FFE];
	_ =	sdelay $0x1  }
0x8a: {  	s1 =	srdreg.scid  }
0x8b: {  	s0 =	sand.u32 $0x1, s1  }
0x8c: {  	s29 =	sshll.u32 s0, $0xA;
	s2 =	sadd.s32 s3, s2  }
0x8d: {  	s2 =	sadd.s32 s2, s29  }
0x8e: {  	[smem:$0x3FC4] =	sst s2  }
0x8f: {  	_ = 	snop  }
0x90: {  	s2 =	sld [smem:$0x3FD0];
	_ =	sdelay $0x1  }
0x91: {  	s30 =	sld [smem:$0x3FC9]  }
0x92: {  	s5 =	simm.s32 $0xA;
	s6 =	simm.s32 $0x10;
	s4 =	sld [smem:$0x3FC6]  }
0x93: {  	[smem:s6], [sflag:s5] =	dma.local [hbm:s2], $0x1  }
0x94: {  	_ =	swait.eq [sflag:s5], $0x1  }
0x95: {  	s31 =	sld [smem:$0x10]  }
0x96: {  	s17 =	sld [smem:$0x11]  }
0x97: {  	s7 =	sld [smem:$0x12]  }
0x98: {  	s8 =	sld [smem:$0x13]  }
0x99: {  	s9 =	sld [smem:$0x14]  }
0x9a: {  	s10 =	sld [smem:$0x15];
	[sflag:s5] =	ssyncset.done $0x0  }
0x9b: {  	s11 =	sld [smem:$0x16];
	[sflag:s5] =	ssyncadd.s32 $0xFFFFFFFF  }
0x9c: {  	s18 =	sld [smem:$0x17];
	(tm) =	ssettm $0x1  }
0x9d: {  	s12 =	sld [smem:$0x3FFB];
	_ =	sdelay $0x3  }
0x9e: {  	_ =	strace s12  }
0x9f: {  	s12 =	sld [smem:$0x3FFC];
	_ =	sdelay $0x3  }
0xa0: {  	_ =	strace s12  }
0xa1: {  	s12 =	sld [smem:$0x3FFD];
	_ =	sdelay $0x3  }
0xa2: {  	_ =	strace s12  }
0xa3: {  	_ =	strace $0x8FFFFFFF  }
0xa4: {  	s19 =	sld [smem:$0x3FDB];
	_ =	sdelay $0x1  }
0xa5: {  	s13 =	simm.s32 $_scs_section_size  }
0xa6: {  	s14 =	simm.s32 $_size__tile_overlayer_lowered;
	s15 =	simm.s32 $_tile_overlayer_lowered  }
0xa7: {  	s22 =	simm.s32 $0x1BFF;
	s21 =	sshll.u32 s15, $0x1;
	s12 =	sadd.s32 s13, s19  }
0xa8: {  	s16 =	simm.s32 $0x0;
	s20 =	sshll.u32 s14, $0x1;
	s14 =	sadd.s32 s21, s12  }
0xa9: {  	[timem:s16], [sflag:s22] =	dma.local [hbm:s14], s20  }
0xaa: {  	_ =	swait.ge [sflag:s22], s20  }
0xab: {  	s13 =	ssub.s32 $0x0, s20;
	[sflag:s22] =	ssyncset.done $0x0  }
0xac: {  	[sflag:s22] =	ssyncadd.s32 s13;
	_ =	sdelay $0x1  }
0xad: {  	s23 =	simm.s32 $0x1B8B  }
0xae: {  	_ =	swait.ge [sflag:s23], $0x1  }
0xaf: {  	[sflag:s23] =	ssyncset.done $0x0  }
0xb0: {  	s25 =	simm.s32 $0x1B8E;
	s24 =	sld [smem:$0x3FFE];
	[sflag:s23] =	ssyncadd.s32 $0xFFFFFFFF  }
0xb1: {  	s26 =	simm.s32 $execute0_lowered;
	[smem:$0x3FD2] =	sst s25  }
0xb2: {  	s14 =	sshll.u32 s26, $0x1;
	_ =	strace $0x80000046;
	[dreg:$0x1] =	wrdreg $0xFFFFFFFF  }
0xb3: {  	s28 =	simm.s32 $_size_execute0_lowered;
	s12 =	sadd.s32 s12, s14;
	[dreg:$0x0] =	wrdreg $0x0  }
0xb4: {  	s14 =	sshll.u32 s28, $0x1;
	[dreg:$0x2] =	wrdreg s12  }
0xb5: {  	[dreg:$0x3] =	wrdreg s14  }
0xb6: {  	[dreg:$0x4] =	wrdreg $0xC0  }
0xb7: {  	_ =	task [dreg:s16], $0x5FFFF  }
0xb8: {  	[dreg:$0x1] =	wrdreg $0xFFFFFFFF  }
0xb9: {  	[dreg:$0x0] =	wrdreg $0x60  }
0xba: {  	[dreg:$0x2] =	wrdreg s30  }
0xbb: {  	[dreg:$0x3] =	wrdreg s4  }
0xbc: {  	[dreg:$0x4] =	wrdreg s24  }
0xbd: {  	[dreg:$0x5] =	wrdreg s17  }
0xbe: {  	[dreg:$0x6] =	wrdreg s10  }
0xbf: {  	[dreg:$0x7] =	wrdreg s31  }
0xc0: {  	[dreg:$0x8] =	wrdreg s9  }
0xc1: {  	[dreg:$0x9] =	wrdreg s8  }
0xc2: {  	[dreg:$0xa] =	wrdreg s18  }
0xc3: {  	[dreg:$0xb] =	wrdreg s7  }
0xc4: {  	[dreg:$0xc] =	wrdreg s11  }
0xc5: {  	[dreg:$0xd] =	wrdreg $0x9  }
0xc6: {  	_ =	task.clear_ibuf [dreg:s16], $0xEFFFF;
	_ =	strace $0x90000046  }
0xc7: {  	s29 =	simm.s32 $0x9;
	_ =	strace $0x80000048  }
0xc8: {  	_ =	swait.ge [sflag:s29], $0x1  }
0xc9: {  	[sflag:s29] =	ssyncadd.s32 $0xFFFFFFFF  }
0xca: {  	_ =	strace $0x90000048  }
0xcb: {  	_ =	sfence  }
0xcc: {  	s30 =	sld [smem:$0x0];
	_ =	sdelay $0x2  }
0xcd: {  	s31 =	sshll.u32 s1, $0xD;
	s1 =	sshrl.u32 s1, $0x2  }
0xce: {  	s3 =	sand.u32 $0x4000, s31;
	s1 =	sadd.s32 s1, s30  }
0xcf: {  	s0 =	sor.u32 s3, s0;
	s1 =	sshll.u32 s1, $0x11  }
0xd0: {  	s0 =	sor.u32 s1, s0  }
0xd1: {  	s0 =	sadd.s32 $0x8F2B, s0  }
0xd2: {  	[sflag:s0] =	ssyncadd.remote.s32 $0x1  }
0xd3: {  	_ =	sfence.sel $0xFFFF  }
0xd4: {  	[dreg:$0x0] =	wrdreg $0xFFFFFFFF;
	(pc) =	sbr.abs _section_cstart, $3  }
0xd5: {  	[dreg:$0x1] =	wrdreg $0xFFFFFFFF  }
0xd6: {  	_ =	task.clear_ibuf [dreg:s16], $0x2FFFF;
	_ =	strace $0x9FFFFFFF  }
0xd7: {  	(tm) =	ssettm $0x7FFFFFFF  }
tec
execute0_lowered:
.L_overlay_start_1:
0x0: {  	(tag) =	ssettag $0x1  }
0x1: {  	s0 =	rddreg [dreg:$0x0]  }
0x2: {  	s1 =	rddreg [dreg:$0x1]  }
0x3: {  	s5 =	rddreg [dreg:$0x2]  }
0x4: {  	s14 =	rddreg [dreg:$0x5]  }
0x5: {  	s15 =	rddreg [dreg:$0x6]  }
0x6: {  	s18 =	rddreg [dreg:$0x7]  }
0x7: {  	s19 =	rddreg [dreg:$0x8];
	s2 =	stileid.u32  }
0x8: {  	s6 =	rddreg [dreg:$0x9];
	s11 =	smul.u32 $0x18, s2  }
0x9: {  	s8 =	srdreg.scid;
	s20 =	smul.u32 $0x18000, s2  }
0xa: {  	s7 =	rddreg [dreg:$0xa];
	s28 =	simm.s32 $0x4;
	s21 =	smul.u32 $0x24, s2  }
0xb: {  	s29 =	simm.s32 $0x5;
	s16 =	sand.u32 $0x1, s8;
	s3 =	smul.u32 $0x24000, s2  }
0xc: {  	s30 =	simm.s32 $0x0;
	s9 =	sshll.u32 s2, $0x1;
	s17 =	smul.u32 $0xC, s16  }
0xd: {  	s8 =	simm.s32 $0x0;
	s25 =	sor.u32 s16, s9;
	s22 =	smul.u32 $0x12, s16  }
0xe: {  	[smem:$0x7FF] =	sst s8;
	s9 =	sadd.s32 $0x800, s5;
	s23 =	smul.u32 $0x12000, s16  }
0xf: {  	s13 =	ssub.s32 $0x2, s16;
	s10 =	smul.u32 $0x180, s25;
	_ =	strace $0x80000047  }
0x10: {  	s12 =	sshll.u32 s25, $0x8;
	s26 =	sshrl.u32 s13, $0x1;
	s24 =	sadd.s32 s3, s15  }
0x11: {  	p0 =	seq.s32 s25, $0x1;
	s12 =	sadd.s32 s12, s5;
	s13 =	ssub.s32 s13, s26  }
0x12: {  	s11 =	sadd.s32 s17, s11;
	s21 =	sadd.s32 s22, s21;
	s22 =	simm.s32 $0x800  }
0x13: {  	p1 =	sne.s32 @!p0 s25, $0x0;
	s25 =	simm.s32 $0x2;
	s5 =	sadd.s32 s10, s5  }
0x14: {  	s10 =	sadd.s32 $0x4000, s12;
	s17 =	sshll.u32 s11, $0xC;
	s12 =	smax.u32 s13, $0x1  }
0x15: {  	s21 =	sshll.u32 s21, $0xC;
	p1 =	por p1, p0;
	s11 =	sadd.s32 $0x1000, s5  }
0x16: {  	s31 =	sadd.s32 s17, s14;
	s5 =	smul.u32 $0xC000, s16;
	s14 =	sadd.s32 s20, s14  }
0x17: {  	s4 =	sadd.s32 s21, s15;
	s17 =	sadd.s32 s17, s18;
	s16 =	sadd.s32 s23, s24  }
.Ltmp0:
0x18: {  	s18 =	sadd.s32 s20, s18;
	s26 =	sadd.s32 s21, s19;
	(pc) =	sbr.rel .LBB2_1-.Ltmp0, $4  }
0x19: {  	s21 =	simm.s32 $0x6;
	s24 =	simm.s32 $0x9400;
	s13 =	sadd.s32 $0x1000, s31  }
0x1a: {  	s15 =	sadd.s32 $0x1000, s4;
	s17 =	sadd.s32 $0x1000, s17;
	s31 =	sadd.s32 s3, s19  }
0x1b: {  	s19 =	sadd.s32 $0x1000, s26;
	s26 =	simm.s32 $0x3;
	s14 =	sadd.s32 s5, s14  }
0x1c: {  	vm0 =	vmmov $0x1;
	v0 =	vlaneseq.u32;
	s18 =	sadd.s32 s5, s18;
	s20 =	sadd.s32 s23, s31;
	s23 =	simm.s32 $0x1400  }
.LBB2_13:
0x1d: {  	_ =	swait.ge [sflag:s29], $0x8000  }
0x1e: {  	[sflag:s29] =	ssyncset.done $0x0  }
0x1f: {  	s4 =	simm.s32 @p0 $0x0;
	[sflag:s29] =	ssyncadd.s32 $0xFFFF8000  }
0x20: {  	s5 =	simm.s32 @p0 $0x11480;
	s31 =	simm.s32 @p0 $0x6;
	s2 =	rddreg [dreg:$0x4]  }
0x21: {  	[tilespmem:s5], [sflag:$0x6] =	stream.linear.gather @p0 [hbm4b:s2+s4], $0x80, $0x38;
	[tilespmem:$0x16500] =	vst v63  }
0x22: {  	_ =	swait.ge @p0 [sflag:s31], $0x80  }
0x23: {  	[sflag:s31] =	ssyncset.done @p0 $0x0  }
0x24: {  	s3 =	simm.s32 @p0 $0x13500;
	s2 =	simm.s32 @p0 $0x60;
	[sflag:s31] =	ssyncadd.s32 @p0 $0xFFFFFF80  }
0x25: {  	[tilespmem:s3], [sflag:$0x1] =	stream.indirect.gather @p0 [hbm4b:s9+s2], $0x80, s5, s2, $0xb8;
	[tilespmem:$0x16500] =	vst v63  }
0x26: {  	s2 =	simm.s32 @p0 $0x1  }
0x27: {  	_ =	swait.ge @p0 [sflag:s2], $0x3000  }
0x28: {  	[sflag:s2] =	ssyncset.done @p0 $0x0  }
0x29: {  	[sflag:s2] =	ssyncadd.s32 @p0 $0xFFFFD000  }
0x2a: {  	[hbm4b:s7+s4] =	stream.linear.scatter @p0 [tilespmem:s3], [sflag:$0x6], $0x3000, $0x38;
	[tilespmem:$0x16500] =	vst v63  }
0x2b: {  	_ =	swait.ge @p0 [sflag:s31], $0x3000  }
0x2c: {  	[sflag:s31] =	ssyncset.done @p0 $0x0  }
0x2d: {  	[sflag:s31] =	ssyncadd.s32 @p0 $0xFFFFD000  }
0x2e: {  	s2 =	simm.s32 @!p1 $0x0;
	s3 =	simm.s32 @!p1 $0x11400;
	s4 =	rddreg [dreg:$0x3]  }
0x2f: {  	[tilespmem:s3], [sflag:$0x6] =	stream.linear.gather @!p1 [hbm4b:s4+s2], $0x80, $0x38;
	[tilespmem:$0x16500] =	vst v63  }
0x30: {  	s4 =	simm.s32 @!p1 $0x6  }
0x31: {  	_ =	swait.ge @!p1 [sflag:s4], $0x80  }
0x32: {  	[sflag:s4] =	ssyncset.done @!p1 $0x0  }
0x33: {  	s5 =	simm.s32 @!p1 $0x40;
	s31 =	simm.s32 @!p1 $0x11500;
	[sflag:s4] =	ssyncadd.s32 @!p1 $0xFFFFFF80  }
0x34: {  	[tilespmem:s31], [sflag:$0x1] =	stream.indirect.gather @!p1 [hbm4b:s9+s5], $0x80, s3, s5, $0xb8;
	[tilespmem:$0x16500] =	vst v63  }
0x35: {  	s3 =	simm.s32 @!p1 $0x1  }
0x36: {  	s30 =	sadd.s32 $0x1, s30;
	_ =	swait.ge @!p1 [sflag:s3], $0x2000  }
0x37: {  	p2 =	sne.s32 s30, s12;
	[sflag:s3] =	ssyncset.done @!p1 $0x0  }
.Ltmp1:
0x38: {  	[sflag:s3] =	ssyncadd.s32 @!p1 $0xFFFFE000;
	(pc) =	sbr.rel @!p2 .LBB2_14-.Ltmp1, $4  }
0x39: {  	[hbm4b:s6+s2] =	stream.linear.scatter @!p1 [tilespmem:s31], [sflag:$0x6], $0x2000, $0x38;
	[tilespmem:$0x16500] =	vst v63  }
0x3a: {  	_ =	swait.ge @!p1 [sflag:s4], $0x2000  }
0x3b: {  	[sflag:s4] =	ssyncset.done @!p1 $0x0  }
0x3c: {  	[sflag:s4] =	ssyncadd.s32 @!p1 $0xFFFFE000  }
.LBB2_1:
0x3d: {  	[tilespmem:s8], [sflag:$0x6] =	stream.linear.gather [hbm4b:s10+s8], $0x600, $0x38;
	[tilespmem:$0x16500] =	vst v63  }
0x3e: {  	_ =	swait.ge [sflag:s21], $0x600  }
0x3f: {  	[sflag:s21] =	ssyncset.done $0x0  }
0x40: {  	[sflag:s21] =	ssyncadd.s32 $0xFFFFFA00  }
0x41: {  	[tilespmem:s22], [sflag:$0x6] =	stream.linear.gather [hbm4b:s11+s8], $0x900, $0x38;
	[tilespmem:$0x16500] =	vst v63  }
0x42: {  	_ =	swait.ge [sflag:s21], $0x900  }
0x43: {  	[sflag:s21] =	ssyncset.done $0x0  }
0x44: {  	[sflag:s21] =	ssyncadd.s32 $0xFFFFF700  }
0x45: {  	v1 =	vld.msk [tilespmem:$0x0], $0x1;
	_ =	sdelay $0x4  }
0x46: {  	v1 =	vshll.u32 v1, $0xF  }
0x47: {  	v1 =	vperm.xlane v1, v0;
	_ =	sdelay $0x5  }
0x48: {  	[tilespmem:s23], [sflag:$0x2] =	stream.indirect_vreg.gather [hbm4b:s0+s8], $0x8000, v1, vm0, $0x38;
	[tilespmem:$0x16500] =	vst v63  }
0x49: {  	v1 =	vld.msk [tilespmem:$0x80], $0x1;
	_ =	sdelay $0x4  }
0x4a: {  	v1 =	vshll.u32 v1, $0xF  }
0x4b: {  	v1 =	vperm.xlane v1, v0;
	_ =	sdelay $0x4  }
0x4c: {  	s31 =	simm.s32 $0x180;
	s5 =	simm.s32 $0x0  }
0x4d: {  	[tilespmem:s24], [sflag:$0x3] =	stream.indirect_vreg.gather [hbm4b:s0+s8], $0x8000, v1, vm0, $0x38;
	[tilespmem:$0x16500] =	vst v63  }
.LBB2_2:
0x4e: {  	_ =	swait.ge [sflag:s25], $0x8000  }
0x4f: {  	[sflag:s25] =	ssyncset.done $0x0  }
0x50: {  	s4 =	sadd.s32 s5, s14;
	[sflag:s25] =	ssyncadd.s32 $0xFFFF8000  }
0x51: {  	[hbm4b:s4+s8] =	stream.linear.scatter [tilespmem:s23], [sflag:$0x4], $0x8000, $0x38;
	[tilespmem:$0x16500] =	vst v63  }
0x52: {  	_ =	swait.ge [sflag:s26], $0x8000  }
0x53: {  	p2 =	seq.s32 s5, $0xA000;
	[sflag:s26] =	ssyncset.done $0x0  }
.Ltmp2:
0x54: {  	s3 =	sadd.s32 s5, s13;
	[sflag:s26] =	ssyncadd.s32 $0xFFFF8000;
	(pc) =	sbr.rel @p2 .LBB2_4-.Ltmp2, $4  }
0x55: {  	[hbm4b:s3+s8] =	stream.linear.scatter [tilespmem:s24], [sflag:$0x5], $0x8000, $0x38;
	[tilespmem:$0x16500] =	vst v63  }
0x56: {  	_ =	swait.ge [sflag:s28], $0x8000  }
0x57: {  	[sflag:s28] =	ssyncset.done $0x0  }
0x58: {  	[sflag:s28] =	ssyncadd.s32 $0xFFFF8000  }
0x59: {  	v1 =	vld.msk [tilespmem:s31+$0xFFFFFF80], $0x1;
	_ =	sdelay $0x4  }
0x5a: {  	v1 =	vshll.u32 v1, $0xF  }
0x5b: {  	v1 =	vperm.xlane v1, v0;
	_ =	sdelay $0x5  }
0x5c: {  	[tilespmem:s23], [sflag:$0x2] =	stream.indirect_vreg.gather [hbm4b:s0+s8], $0x8000, v1, vm0, $0x38;
	[tilespmem:$0x16500] =	vst v63  }
0x5d: {  	_ =	swait.ge [sflag:s29], $0x8000  }
0x5e: {  	[sflag:s29] =	ssyncset.done $0x0  }
0x5f: {  	[sflag:s29] =	ssyncadd.s32 $0xFFFF8000  }
0x60: {  	v1 =	vld.msk [tilespmem:s31+$0x0], $0x1;
	_ =	sdelay $0x4  }
0x61: {  	v1 =	vshll.u32 v1, $0xF  }
0x62: {  	v1 =	vperm.xlane v1, v0;
	_ =	sdelay $0x1  }
.Ltmp3:
0x63: {  	_ = 	snop;
	(pc) =	sbr.rel .LBB2_2-.Ltmp3, $3  }
0x64: {  	_ =	sdelay $0x1  }
0x65: {  	s5 =	sadd.s32 $0x2000, s5;
	s31 =	sadd.s32 $0x100, s31  }
0x66: {  	[tilespmem:s24], [sflag:$0x3] =	stream.indirect_vreg.gather [hbm4b:s0+s8], $0x8000, v1, vm0, $0x38;
	[tilespmem:$0x16500] =	vst v63  }
.LBB2_4:
0x67: {  	_ =	swait.ge [sflag:s29], $0x8000  }
0x68: {  	[sflag:s29] =	ssyncset.done $0x0  }
0x69: {  	[sflag:s29] =	ssyncadd.s32 $0xFFFF8000  }
0x6a: {  	v1 =	vld.msk [tilespmem:$0x800], $0x1;
	_ =	sdelay $0x4  }
0x6b: {  	v1 =	vshll.u32 v1, $0xF  }
0x6c: {  	v1 =	vperm.xlane v1, v0;
	_ =	sdelay $0x4  }
0x6d: {  	s31 =	simm.s32 $0x0  }
0x6e: {  	[tilespmem:s23], [sflag:$0x2] =	stream.indirect_vreg.gather [hbm4b:s0+s31], $0x8000, v1, vm0, $0x38;
	[tilespmem:$0x16500] =	vst v63  }
0x6f: {  	v1 =	vld.msk [tilespmem:$0x880], $0x1;
	_ =	sdelay $0x4  }
0x70: {  	v1 =	vshll.u32 v1, $0xF  }
0x71: {  	v1 =	vperm.xlane v1, v0;
	_ =	sdelay $0x4  }
0x72: {  	s5 =	simm.s32 $0x980  }
0x73: {  	[tilespmem:s24], [sflag:$0x3] =	stream.indirect_vreg.gather [hbm4b:s0+s31], $0x8000, v1, vm0, $0x38;
	[tilespmem:$0x16500] =	vst v63  }
.LBB2_5:
0x74: {  	_ =	swait.ge [sflag:s25], $0x8000  }
0x75: {  	[sflag:s25] =	ssyncset.done $0x0  }
0x76: {  	s4 =	sadd.s32 s31, s16;
	[sflag:s25] =	ssyncadd.s32 $0xFFFF8000  }
0x77: {  	[hbm4b:s4+s8] =	stream.linear.scatter [tilespmem:s23], [sflag:$0x4], $0x8000, $0x38;
	[tilespmem:$0x16500] =	vst v63  }
0x78: {  	_ =	swait.ge [sflag:s26], $0x8000  }
0x79: {  	p2 =	seq.s32 s31, $0x10000;
	[sflag:s26] =	ssyncset.done $0x0  }
.Ltmp4:
0x7a: {  	s3 =	sadd.s32 s31, s15;
	[sflag:s26] =	ssyncadd.s32 $0xFFFF8000;
	(pc) =	sbr.rel @p2 .LBB2_7-.Ltmp4, $4  }
0x7b: {  	[hbm4b:s3+s8] =	stream.linear.scatter [tilespmem:s24], [sflag:$0x5], $0x8000, $0x38;
	[tilespmem:$0x16500] =	vst v63  }
0x7c: {  	_ =	swait.ge [sflag:s28], $0x8000  }
0x7d: {  	[sflag:s28] =	ssyncset.done $0x0  }
0x7e: {  	[sflag:s28] =	ssyncadd.s32 $0xFFFF8000  }
0x7f: {  	v1 =	vld.msk [tilespmem:s5+$0xFFFFFF80], $0x1;
	_ =	sdelay $0x4  }
0x80: {  	v1 =	vshll.u32 v1, $0xF  }
0x81: {  	v1 =	vperm.xlane v1, v0;
	_ =	sdelay $0x5  }
0x82: {  	[tilespmem:s23], [sflag:$0x2] =	stream.indirect_vreg.gather [hbm4b:s0+s8], $0x8000, v1, vm0, $0x38;
	[tilespmem:$0x16500] =	vst v63  }
0x83: {  	_ =	swait.ge [sflag:s29], $0x8000  }
0x84: {  	[sflag:s29] =	ssyncset.done $0x0  }
0x85: {  	[sflag:s29] =	ssyncadd.s32 $0xFFFF8000  }
0x86: {  	v1 =	vld.msk [tilespmem:s5+$0x0], $0x1;
	_ =	sdelay $0x4  }
0x87: {  	v1 =	vshll.u32 v1, $0xF  }
0x88: {  	v1 =	vperm.xlane v1, v0;
	_ =	sdelay $0x1  }
.Ltmp5:
0x89: {  	_ = 	snop;
	(pc) =	sbr.rel .LBB2_5-.Ltmp5, $3  }
0x8a: {  	_ =	sdelay $0x1  }
0x8b: {  	s31 =	sadd.s32 $0x2000, s31;
	s5 =	sadd.s32 $0x100, s5  }
0x8c: {  	[tilespmem:s24], [sflag:$0x3] =	stream.indirect_vreg.gather [hbm4b:s0+s8], $0x8000, v1, vm0, $0x38;
	[tilespmem:$0x16500] =	vst v63  }
.LBB2_7:
0x8d: {  	_ =	swait.ge [sflag:s29], $0x8000  }
0x8e: {  	[sflag:s29] =	ssyncset.done $0x0  }
0x8f: {  	[sflag:s29] =	ssyncadd.s32 $0xFFFF8000  }
0x90: {  	v1 =	vld.msk [tilespmem:$0x0], $0x1;
	_ =	sdelay $0x4  }
0x91: {  	v1 =	vshll.u32 v1, $0xF  }
0x92: {  	v1 =	vperm.xlane v1, v0;
	_ =	sdelay $0x4  }
0x93: {  	s31 =	simm.s32 $0x0  }
0x94: {  	[tilespmem:s23], [sflag:$0x2] =	stream.indirect_vreg.gather [hbm4b:s1+s31], $0x8000, v1, vm0, $0x38;
	[tilespmem:$0x16500] =	vst v63  }
0x95: {  	v1 =	vld.msk [tilespmem:$0x80], $0x1;
	_ =	sdelay $0x4  }
0x96: {  	v1 =	vshll.u32 v1, $0xF  }
0x97: {  	v1 =	vperm.xlane v1, v0;
	_ =	sdelay $0x4  }
0x98: {  	s5 =	simm.s32 $0x180  }
0x99: {  	[tilespmem:s24], [sflag:$0x3] =	stream.indirect_vreg.gather [hbm4b:s1+s31], $0x8000, v1, vm0, $0x38;
	[tilespmem:$0x16500] =	vst v63  }
.LBB2_8:
0x9a: {  	_ =	swait.ge [sflag:s25], $0x8000  }
0x9b: {  	[sflag:s25] =	ssyncset.done $0x0  }
0x9c: {  	s4 =	sadd.s32 s31, s18;
	[sflag:s25] =	ssyncadd.s32 $0xFFFF8000  }
0x9d: {  	[hbm4b:s4+s8] =	stream.linear.scatter [tilespmem:s23], [sflag:$0x4], $0x8000, $0x38;
	[tilespmem:$0x16500] =	vst v63  }
0x9e: {  	_ =	swait.ge [sflag:s26], $0x8000  }
0x9f: {  	p2 =	seq.s32 s31, $0xA000;
	[sflag:s26] =	ssyncset.done $0x0  }
.Ltmp6:
0xa0: {  	s3 =	sadd.s32 s31, s17;
	[sflag:s26] =	ssyncadd.s32 $0xFFFF8000;
	(pc) =	sbr.rel @p2 .LBB2_10-.Ltmp6, $4  }
0xa1: {  	[hbm4b:s3+s8] =	stream.linear.scatter [tilespmem:s24], [sflag:$0x5], $0x8000, $0x38;
	[tilespmem:$0x16500] =	vst v63  }
0xa2: {  	_ =	swait.ge [sflag:s28], $0x8000  }
0xa3: {  	[sflag:s28] =	ssyncset.done $0x0  }
0xa4: {  	[sflag:s28] =	ssyncadd.s32 $0xFFFF8000  }
0xa5: {  	v1 =	vld.msk [tilespmem:s5+$0xFFFFFF80], $0x1;
	_ =	sdelay $0x4  }
0xa6: {  	v1 =	vshll.u32 v1, $0xF  }
0xa7: {  	v1 =	vperm.xlane v1, v0;
	_ =	sdelay $0x5  }
0xa8: {  	[tilespmem:s23], [sflag:$0x2] =	stream.indirect_vreg.gather [hbm4b:s1+s8], $0x8000, v1, vm0, $0x38;
	[tilespmem:$0x16500] =	vst v63  }
0xa9: {  	_ =	swait.ge [sflag:s29], $0x8000  }
0xaa: {  	[sflag:s29] =	ssyncset.done $0x0  }
0xab: {  	[sflag:s29] =	ssyncadd.s32 $0xFFFF8000  }
0xac: {  	v1 =	vld.msk [tilespmem:s5+$0x0], $0x1;
	_ =	sdelay $0x4  }
0xad: {  	v1 =	vshll.u32 v1, $0xF  }
0xae: {  	v1 =	vperm.xlane v1, v0;
	_ =	sdelay $0x1  }
.Ltmp7:
0xaf: {  	_ = 	snop;
	(pc) =	sbr.rel .LBB2_8-.Ltmp7, $3  }
0xb0: {  	_ =	sdelay $0x1  }
0xb1: {  	s31 =	sadd.s32 $0x2000, s31;
	s5 =	sadd.s32 $0x100, s5  }
0xb2: {  	[tilespmem:s24], [sflag:$0x3] =	stream.indirect_vreg.gather [hbm4b:s1+s8], $0x8000, v1, vm0, $0x38;
	[tilespmem:$0x16500] =	vst v63  }
.LBB2_10:
0xb3: {  	_ =	swait.ge [sflag:s29], $0x8000  }
0xb4: {  	[sflag:s29] =	ssyncset.done $0x0  }
0xb5: {  	[sflag:s29] =	ssyncadd.s32 $0xFFFF8000  }
0xb6: {  	v1 =	vld.msk [tilespmem:$0x800], $0x1;
	_ =	sdelay $0x4  }
0xb7: {  	v1 =	vshll.u32 v1, $0xF  }
0xb8: {  	v1 =	vperm.xlane v1, v0;
	_ =	sdelay $0x4  }
0xb9: {  	s31 =	simm.s32 $0x0  }
0xba: {  	[tilespmem:s23], [sflag:$0x2] =	stream.indirect_vreg.gather [hbm4b:s1+s31], $0x8000, v1, vm0, $0x38;
	[tilespmem:$0x16500] =	vst v63  }
0xbb: {  	v1 =	vld.msk [tilespmem:$0x880], $0x1;
	_ =	sdelay $0x4  }
0xbc: {  	v1 =	vshll.u32 v1, $0xF  }
0xbd: {  	v1 =	vperm.xlane v1, v0;
	_ =	sdelay $0x4  }
0xbe: {  	s5 =	simm.s32 $0x980  }
0xbf: {  	[tilespmem:s24], [sflag:$0x3] =	stream.indirect_vreg.gather [hbm4b:s1+s31], $0x8000, v1, vm0, $0x38;
	[tilespmem:$0x16500] =	vst v63  }
.LBB2_11:
0xc0: {  	_ =	swait.ge [sflag:s25], $0x8000  }
0xc1: {  	[sflag:s25] =	ssyncset.done $0x0  }
0xc2: {  	s4 =	sadd.s32 s31, s20;
	[sflag:s25] =	ssyncadd.s32 $0xFFFF8000  }
0xc3: {  	[hbm4b:s4+s8] =	stream.linear.scatter [tilespmem:s23], [sflag:$0x4], $0x8000, $0x38;
	[tilespmem:$0x16500] =	vst v63  }
0xc4: {  	_ =	swait.ge [sflag:s26], $0x8000  }
0xc5: {  	p2 =	seq.s32 s31, $0x10000;
	[sflag:s26] =	ssyncset.done $0x0  }
.Ltmp8:
0xc6: {  	s3 =	sadd.s32 s31, s19;
	[sflag:s26] =	ssyncadd.s32 $0xFFFF8000;
	(pc) =	sbr.rel @p2 .LBB2_13-.Ltmp8, $4  }
0xc7: {  	[hbm4b:s3+s8] =	stream.linear.scatter [tilespmem:s24], [sflag:$0x5], $0x8000, $0x38;
	[tilespmem:$0x16500] =	vst v63  }
0xc8: {  	_ =	swait.ge [sflag:s28], $0x8000  }
0xc9: {  	[sflag:s28] =	ssyncset.done $0x0  }
0xca: {  	[sflag:s28] =	ssyncadd.s32 $0xFFFF8000  }
0xcb: {  	v1 =	vld.msk [tilespmem:s5+$0xFFFFFF80], $0x1;
	_ =	sdelay $0x4  }
0xcc: {  	v1 =	vshll.u32 v1, $0xF  }
0xcd: {  	v1 =	vperm.xlane v1, v0;
	_ =	sdelay $0x5  }
0xce: {  	[tilespmem:s23], [sflag:$0x2] =	stream.indirect_vreg.gather [hbm4b:s1+s8], $0x8000, v1, vm0, $0x38;
	[tilespmem:$0x16500] =	vst v63  }
0xcf: {  	_ =	swait.ge [sflag:s29], $0x8000  }
0xd0: {  	[sflag:s29] =	ssyncset.done $0x0  }
0xd1: {  	[sflag:s29] =	ssyncadd.s32 $0xFFFF8000  }
0xd2: {  	v1 =	vld.msk [tilespmem:s5+$0x0], $0x1;
	_ =	sdelay $0x4  }
0xd3: {  	v1 =	vshll.u32 v1, $0xF  }
0xd4: {  	v1 =	vperm.xlane v1, v0;
	_ =	sdelay $0x1  }
.Ltmp9:
0xd5: {  	_ = 	snop;
	(pc) =	sbr.rel .LBB2_11-.Ltmp9, $3  }
0xd6: {  	_ =	sdelay $0x1  }
0xd7: {  	s31 =	sadd.s32 $0x2000, s31;
	s5 =	sadd.s32 $0x100, s5  }
0xd8: {  	[tilespmem:s24], [sflag:$0x3] =	stream.indirect_vreg.gather [hbm4b:s1+s8], $0x8000, v1, vm0, $0x38;
	[tilespmem:$0x16500] =	vst v63  }
.LBB2_14:
0xd9: {  	_ =	sfence.sel $0x180000  }
0xda: {  	[bflag:$0x0] =	sbarrier.arrive $0xFFFF  }
0xdb: {  	_ =	strace $0x90000047  }
0xdc: {  	s0 =	stileid.u32;
	[bflag:$0x2] =	sbarrier.arrive $0xFFFF  }
0xdd: {  	p0 =	sne.s32 s0, $0x0;
	s0 =	rddreg [dreg:$0xb]  }
0xde: {  	s0 =	sadd.s32 @!p0 $0x100000, s0  }
0xdf: {  	[sflag:s0] =	ssyncadd.tile.s32 @!p0 $0x1;
	_ =	shalt  }
.Lfunc_end2:
_tile_overlayer_lowered:
.L_overlay_start_2:
0xe0: {  	(tag) =	ssettag $0x2  }
0xe1: {  	s0 =	rddreg [dreg:$0x0];
	s2 =	stileid.u32  }
0xe2: {  	s1 =	rddreg [dreg:$0x1];
	p0 =	sne.s32 s2, $0x0  }
0xe3: {  	s3 =	rddreg [dreg:$0x2];
	[bflag:$0x3] =	sbarrier.arrive $0xFFFF;
	s2 =	simm.s32 @!p0 $0x1C06  }
0xe4: {  	[timem:s3], [sflag:s2] =	dma.local @!p0 [hbm:s0], s1  }
0xe5: {  	s0 =	simm.s32 @!p0 $0x6  }
0xe6: {  	_ =	swait.ge @!p0 [sflag:s0], s1  }
0xe7: {  	s1 =	ssub.s32 @!p0 $0x0, s1;
	[sflag:s0] =	ssyncset.done @!p0 $0x0  }
0xe8: {  	[sflag:s0] =	ssyncadd.s32 @!p0 s1  }
0xe9: {  	[bflag:$0x3] =	sbarrier.arrive $0xFFFF  }
0xea: {  	_ =	shalt  }

</sc_bundles>
